<compile_context>
chip_gen: v7x
topology: tpu7x:2x2x1
jax: 0.10.2.dev20260603
libtpu: 0.0.44.dev20260713+nightly
codegen_flags: <defaults>
</compile_context>

<pallas_src>
import functools

import jax
import jax.numpy as jnp
from jax import lax
from jax.experimental import pallas as pl
from jax.experimental.pallas import tpu as pltpu
from jax.experimental.pallas import tpu_sc as plsc

_TILE_T = 1024


def _mm_body(kT_ref, x_ref, out_ref):
    out_ref[...] = lax.dot_general(
        kT_ref[...], x_ref[...],
        dimension_numbers=(((1,), (1,)), ((), ())),
        preferred_element_type=jnp.float32)


def _router_logits_et(x, kT):
    T, D = x.shape
    E = kT.shape[0]
    return pl.pallas_call(
        _mm_body,
        grid=(T // _TILE_T,),
        in_specs=[
            pl.BlockSpec((E, D), lambda i: (0, 0)),
            pl.BlockSpec((_TILE_T, D), lambda i: (i, 0)),
        ],
        out_specs=pl.BlockSpec((E, _TILE_T), lambda i: (0, i)),
        out_shape=jax.ShapeDtypeStruct((E, T), jnp.float32),
    )(kT, x)


def _sc_topk2(logits_et):
    E, T = logits_et.shape
    info = plsc.get_sparse_core_info()
    nc, ns, L = info.num_cores, info.num_subcores, info.num_lanes
    nw = nc * ns
    tpw = T // nw
    n_groups = tpw // L

    @functools.partial(
        pl.kernel,
        out_type=[
            jax.ShapeDtypeStruct((2 * T,), jnp.float32),
            jax.ShapeDtypeStruct((2 * T,), jnp.int32),
        ],
        mesh=plsc.VectorSubcoreMesh(core_axis_name="c", subcore_axis_name="s"),
        compiler_params=pltpu.CompilerParams(needs_layout_passes=False,
                                             use_tc_tiling_on_sc=True,
                                             skip_device_barrier=True),
        scratch_types=[
            pltpu.VMEM((E, tpw), jnp.float32),
            pltpu.VMEM((2 * tpw,), jnp.float32),
            pltpu.VMEM((2 * tpw,), jnp.int32),
        ],
    )
    def topk_kernel(logits_hbm, w_hbm, ids_hbm, logits_v, w_v, ids_v):
        wid = lax.axis_index("s") * nc + lax.axis_index("c")
        pltpu.sync_copy(logits_hbm.at[:, pl.ds(wid * tpw, tpw)], logits_v)
        iota = lax.iota(jnp.int32, L)

        def group(g, carry):
            neg = jnp.full((L,), -jnp.inf, jnp.float32)
            m1, m2 = neg, neg
            i1 = jnp.zeros((L,), jnp.int32)
            i2 = jnp.zeros((L,), jnp.int32)
            for e in range(E):
                es = jnp.full((L,), e, jnp.int32)
                v = logits_v[e, pl.ds(g * L, L)]
                gt1 = v > m1
                gt2 = v > m2
                m2 = jnp.where(gt1, m1, jnp.where(gt2, v, m2))
                i2 = jnp.where(gt1, i1, jnp.where(gt2, es, i2))
                m1 = jnp.where(gt1, v, m1)
                i1 = jnp.where(gt1, es, i1)
            ed = jnp.exp(m2 - m1)
            w1 = 1.0 / (1.0 + ed)
            w2 = 1.0 - w1
            ob = (g // 8) * 256 + (g % 8) * 16
            plsc.store_scatter(w_v, [ob + iota], w1)
            plsc.store_scatter(w_v, [ob + 128 + iota], w2)
            plsc.store_scatter(ids_v, [ob + iota], i1)
            plsc.store_scatter(ids_v, [ob + 128 + iota], i2)
            return carry

        lax.fori_loop(0, n_groups, group, 0)
        pltpu.sync_copy(w_v, w_hbm.at[pl.ds(wid * 2 * tpw, 2 * tpw)])
        pltpu.sync_copy(ids_v, ids_hbm.at[pl.ds(wid * 2 * tpw, 2 * tpw)])

    return topk_kernel(logits_et)


def kernel(x, kernel_DE):
    T = x.shape[0]
    logits_et = _router_logits_et(x, kernel_DE.T)
    w_flat, ids_flat = _sc_topk2(logits_et)
    w = w_flat.reshape(T // 128, 2, 128).transpose(0, 2, 1).reshape(T, 2)
    ids = ids_flat.reshape(T // 128, 2, 128).transpose(0, 2, 1).reshape(T, 2)
    return (w, ids)

# --- scband reference (transcript-rebuilt; emitter-appended) ---
"""Pipeline reference for scband-router-11081015623717 (READ-ONLY COPY).

The authoritative reference and input builder live on the scoring server;
editing this copy changes nothing except your own understanding.
"""

import jax, jax.numpy as jnp
import numpy as np

T = 16384  # batch 4 * seq 4096
D = 2048
E = 16
TOP_K = 2


def setup_inputs(seed: int = 0) -> dict:
    key = jax.random.key(seed)
    k1, k2 = jax.random.split(key)
    x = jax.random.normal(k1, (T, D), dtype=jnp.float32)
    # router kernel, LeCun-normal-ish init
    kernel_DE = jax.random.normal(k2, (D, E), dtype=jnp.float32) / np.sqrt(D)
    return {"x": x, "kernel_DE": kernel_DE}


def reference(x, kernel_DE):
    # op_mode only selects a sharding constraint in the original; math is identical.
    x_TD = jnp.asarray(x, jnp.float32)
    router_logits_TE = jnp.einsum('TD,DE->TE', x_TD, kernel_DE)
    weights_TX, selected_experts_TX = jax.lax.top_k(router_logits_TE, TOP_K)
    # router_act = 'softmax' (not sigmoid) -> softmax over the top-k axis
    normalized_weights_TX = jax.nn.softmax(weights_TX.astype(jnp.float32), axis=-1)
    return (normalized_weights_TX, selected_experts_TX)

if __name__ == "__main__":
    import jax
    _d = setup_inputs()
    print(jax.jit(kernel)(*tuple(_d.values())))

</pallas_src>

<mosaic_0001>
#map = affine_map<(d0, d1) -> (0, 0)>
#map1 = affine_map<(d0, d1) -> (0)>
module attributes {stable_mosaic.version = 14 : i64} {
  func.func @topk_kernel(%arg0: i32, %arg1: i32, %arg2: memref<16x16384xf32, #tpu.memory_space<hbm>>, %arg3: memref<32768xf32, #tpu.memory_space<hbm>>, %arg4: memref<32768xi32, #tpu.memory_space<hbm>>, %arg5: memref<16x512xf32, #tpu.memory_space<vmem>>, %arg6: memref<1024xf32, #tpu.memory_space<vmem>>, %arg7: memref<1024xi32, #tpu.memory_space<vmem>>) attributes {dimension_semantics = [#tpu.dimension_semantics<core_parallel>, #tpu.dimension_semantics<subcore_parallel>], iteration_bounds = array<i64: 2, 16>, scalar_prefetch = 0 : i64, scratch_operands = 3 : i64, tpu.core_type = #tpu.core_type<sc_vector_subcore>, window_params = [{transform_indices = #map}, {transform_indices = #map1}, {transform_indices = #map1}]} {
    %mul3A = arith.constant 2 : i32
    %mul3A_0 = arith.muli %arg1, %mul3A : i32
    %add3A = arith.addi %mul3A_0, %arg0 : i32
    %mul3A_1 = arith.constant 512 : i32
    %mul3A_2 = arith.muli %add3A, %mul3A_1 : i32
    "tpu.region"() ({
      %run_scoped3A = tpu.sem_alloc : memref<!tpu.dma_semaphore, #tpu.memory_space<semaphore_mem>>
      %dma_start3A = arith.constant 0 : i32
      %dma_start3A_16 = tpu.memref_slice %arg2[%dma_start3A, %mul3A_2] : memref<16x16384xf32, #tpu.memory_space<hbm>> -> memref<16x512xf32, #tpu.memory_space<hbm>>
      %dma_start3A_17 = arith.constant 0 : i32
      %dma_start3A_18 = tpu.memref_slice %arg2[%dma_start3A_17, %mul3A_2] : memref<16x16384xf32, #tpu.memory_space<hbm>> -> memref<16x512xf32, #tpu.memory_space<hbm>>
      tpu.enqueue_dma source(%dma_start3A_18 : memref<16x512xf32, #tpu.memory_space<hbm>>) target(%arg5 : memref<16x512xf32, #tpu.memory_space<vmem>>) target_semaphore(%run_scoped3A : memref<!tpu.dma_semaphore, #tpu.memory_space<semaphore_mem>>)
      %dma_wait3A = arith.constant 0 : i32
      %dma_wait3A_19 = tpu.memref_slice %arg2[%dma_wait3A, %mul3A_2] : memref<16x16384xf32, #tpu.memory_space<hbm>> -> memref<16x512xf32, #tpu.memory_space<hbm>>
      %dma_wait3A_20 = arith.constant 0 : i32
      %dma_wait3A_21 = tpu.memref_slice %arg2[%dma_wait3A_20, %mul3A_2] : memref<16x16384xf32, #tpu.memory_space<hbm>> -> memref<16x512xf32, #tpu.memory_space<hbm>>
      tpu.wait_dma2 semaphore(%run_scoped3A : memref<!tpu.dma_semaphore, #tpu.memory_space<semaphore_mem>>) src(%dma_wait3A_21 : memref<16x512xf32, #tpu.memory_space<hbm>>) dst(%arg5 : memref<16x512xf32, #tpu.memory_space<vmem>>)
      tpu.yield
    }) : () -> ()
    %iota3A = tpu.iota {dimensions = array<i32: 0>} : vector<16xi32>
    %scan3A = arith.constant 0 : i32
    %scan3A_3 = arith.constant 0 : i32
    %scan3A_4 = arith.constant 32 : i32
    %scan3A_5 = arith.addi %scan3A_3, %scan3A_4 : i32
    %scan3A_6 = arith.constant 1 : i32
    scf.for %scan3A_16 = %scan3A_3 to %scan3A_5 step %scan3A_6  : i32 {
      %broadcast_in_dim3A = arith.constant 0xFF800000 : f32
      %broadcast_in_dim3A_17 = vector.broadcast %broadcast_in_dim3A : f32 to vector<16xf32>
      %broadcast_in_dim3A_18 = arith.constant 0 : i32
      %broadcast_in_dim3A_19 = vector.broadcast %broadcast_in_dim3A_18 : i32 to vector<16xi32>
      %broadcast_in_dim3A_20 = arith.constant 0 : i32
      %broadcast_in_dim3A_21 = vector.broadcast %broadcast_in_dim3A_20 : i32 to vector<16xi32>
      %broadcast_in_dim3A_22 = arith.constant 0 : i32
      %broadcast_in_dim3A_23 = vector.broadcast %broadcast_in_dim3A_22 : i32 to vector<16xi32>
      %mul3A_24 = arith.constant 16 : i32
      %mul3A_25 = arith.muli %scan3A_16, %mul3A_24 : i32
      %get3A = arith.constant 0 : i32
      %get3A_26 = arith.index_cast %get3A : i32 to index
      %get3A_27 = arith.index_cast %mul3A_25 : i32 to index
      %get3A_28 = tpu.vector_load %arg5[%get3A_26, %get3A_27] {strides = array<i32>} : memref<16x512xf32, #tpu.memory_space<vmem>>, vector<16xf32>,
      %gt3A = arith.cmpf ogt, %get3A_28, %broadcast_in_dim3A_17 : vector<16xf32>
      %gt3A_29 = arith.cmpf ogt, %get3A_28, %broadcast_in_dim3A_17 : vector<16xf32>
      %select_n3A = arith.select %gt3A_29, %get3A_28, %broadcast_in_dim3A_17 : vector<16xi1>, vector<16xf32>
      %select_n3A_30 = arith.select %gt3A, %broadcast_in_dim3A_17, %select_n3A : vector<16xi1>, vector<16xf32>
      %select_n3A_31 = arith.select %gt3A_29, %broadcast_in_dim3A_23, %broadcast_in_dim3A_21 : vector<16xi1>, vector<16xi32>
      %select_n3A_32 = arith.select %gt3A, %broadcast_in_dim3A_19, %select_n3A_31 : vector<16xi1>, vector<16xi32>
      %select_n3A_33 = arith.select %gt3A, %get3A_28, %broadcast_in_dim3A_17 : vector<16xi1>, vector<16xf32>
      %select_n3A_34 = arith.select %gt3A, %broadcast_in_dim3A_23, %broadcast_in_dim3A_19 : vector<16xi1>, vector<16xi32>
      %broadcast_in_dim3A_35 = arith.constant 1 : i32
      %broadcast_in_dim3A_36 = vector.broadcast %broadcast_in_dim3A_35 : i32 to vector<16xi32>
      %mul3A_37 = arith.constant 16 : i32
      %mul3A_38 = arith.muli %scan3A_16, %mul3A_37 : i32
      %get3A_39 = arith.constant 1 : i32
      %get3A_40 = arith.index_cast %get3A_39 : i32 to index
      %get3A_41 = arith.index_cast %mul3A_38 : i32 to index
      %get3A_42 = tpu.vector_load %arg5[%get3A_40, %get3A_41] {strides = array<i32>} : memref<16x512xf32, #tpu.memory_space<vmem>>, vector<16xf32>,
      %gt3A_43 = arith.cmpf ogt, %get3A_42, %select_n3A_33 : vector<16xf32>
      %gt3A_44 = arith.cmpf ogt, %get3A_42, %select_n3A_30 : vector<16xf32>
      %select_n3A_45 = arith.select %gt3A_44, %get3A_42, %select_n3A_30 : vector<16xi1>, vector<16xf32>
      %select_n3A_46 = arith.select %gt3A_43, %select_n3A_33, %select_n3A_45 : vector<16xi1>, vector<16xf32>
      %select_n3A_47 = arith.select %gt3A_44, %broadcast_in_dim3A_36, %select_n3A_32 : vector<16xi1>, vector<16xi32>
      %select_n3A_48 = arith.select %gt3A_43, %select_n3A_34, %select_n3A_47 : vector<16xi1>, vector<16xi32>
      %select_n3A_49 = arith.select %gt3A_43, %get3A_42, %select_n3A_33 : vector<16xi1>, vector<16xf32>
      %select_n3A_50 = arith.select %gt3A_43, %broadcast_in_dim3A_36, %select_n3A_34 : vector<16xi1>, vector<16xi32>
      %broadcast_in_dim3A_51 = arith.constant 2 : i32
      %broadcast_in_dim3A_52 = vector.broadcast %broadcast_in_dim3A_51 : i32 to vector<16xi32>
      %mul3A_53 = arith.constant 16 : i32
      %mul3A_54 = arith.muli %scan3A_16, %mul3A_53 : i32
      %get3A_55 = arith.constant 2 : i32
      %get3A_56 = arith.index_cast %get3A_55 : i32 to index
      %get3A_57 = arith.index_cast %mul3A_54 : i32 to index
      %get3A_58 = tpu.vector_load %arg5[%get3A_56, %get3A_57] {strides = array<i32>} : memref<16x512xf32, #tpu.memory_space<vmem>>, vector<16xf32>,
      %gt3A_59 = arith.cmpf ogt, %get3A_58, %select_n3A_49 : vector<16xf32>
      %gt3A_60 = arith.cmpf ogt, %get3A_58, %select_n3A_46 : vector<16xf32>
      %select_n3A_61 = arith.select %gt3A_60, %get3A_58, %select_n3A_46 : vector<16xi1>, vector<16xf32>
      %select_n3A_62 = arith.select %gt3A_59, %select_n3A_49, %select_n3A_61 : vector<16xi1>, vector<16xf32>
      %select_n3A_63 = arith.select %gt3A_60, %broadcast_in_dim3A_52, %select_n3A_48 : vector<16xi1>, vector<16xi32>
      %select_n3A_64 = arith.select %gt3A_59, %select_n3A_50, %select_n3A_63 : vector<16xi1>, vector<16xi32>
      %select_n3A_65 = arith.select %gt3A_59, %get3A_58, %select_n3A_49 : vector<16xi1>, vector<16xf32>
      %select_n3A_66 = arith.select %gt3A_59, %broadcast_in_dim3A_52, %select_n3A_50 : vector<16xi1>, vector<16xi32>
      %broadcast_in_dim3A_67 = arith.constant 3 : i32
      %broadcast_in_dim3A_68 = vector.broadcast %broadcast_in_dim3A_67 : i32 to vector<16xi32>
      %mul3A_69 = arith.constant 16 : i32
      %mul3A_70 = arith.muli %scan3A_16, %mul3A_69 : i32
      %get3A_71 = arith.constant 3 : i32
      %get3A_72 = arith.index_cast %get3A_71 : i32 to index
      %get3A_73 = arith.index_cast %mul3A_70 : i32 to index
      %get3A_74 = tpu.vector_load %arg5[%get3A_72, %get3A_73] {strides = array<i32>} : memref<16x512xf32, #tpu.memory_space<vmem>>, vector<16xf32>,
      %gt3A_75 = arith.cmpf ogt, %get3A_74, %select_n3A_65 : vector<16xf32>
      %gt3A_76 = arith.cmpf ogt, %get3A_74, %select_n3A_62 : vector<16xf32>
      %select_n3A_77 = arith.select %gt3A_76, %get3A_74, %select_n3A_62 : vector<16xi1>, vector<16xf32>
      %select_n3A_78 = arith.select %gt3A_75, %select_n3A_65, %select_n3A_77 : vector<16xi1>, vector<16xf32>
      %select_n3A_79 = arith.select %gt3A_76, %broadcast_in_dim3A_68, %select_n3A_64 : vector<16xi1>, vector<16xi32>
      %select_n3A_80 = arith.select %gt3A_75, %select_n3A_66, %select_n3A_79 : vector<16xi1>, vector<16xi32>
      %select_n3A_81 = arith.select %gt3A_75, %get3A_74, %select_n3A_65 : vector<16xi1>, vector<16xf32>
      %select_n3A_82 = arith.select %gt3A_75, %broadcast_in_dim3A_68, %select_n3A_66 : vector<16xi1>, vector<16xi32>
      %broadcast_in_dim3A_83 = arith.constant 4 : i32
      %broadcast_in_dim3A_84 = vector.broadcast %broadcast_in_dim3A_83 : i32 to vector<16xi32>
      %mul3A_85 = arith.constant 16 : i32
      %mul3A_86 = arith.muli %scan3A_16, %mul3A_85 : i32
      %get3A_87 = arith.constant 4 : i32
      %get3A_88 = arith.index_cast %get3A_87 : i32 to index
      %get3A_89 = arith.index_cast %mul3A_86 : i32 to index
      %get3A_90 = tpu.vector_load %arg5[%get3A_88, %get3A_89] {strides = array<i32>} : memref<16x512xf32, #tpu.memory_space<vmem>>, vector<16xf32>,
      %gt3A_91 = arith.cmpf ogt, %get3A_90, %select_n3A_81 : vector<16xf32>
      %gt3A_92 = arith.cmpf ogt, %get3A_90, %select_n3A_78 : vector<16xf32>
      %select_n3A_93 = arith.select %gt3A_92, %get3A_90, %select_n3A_78 : vector<16xi1>, vector<16xf32>
      %select_n3A_94 = arith.select %gt3A_91, %select_n3A_81, %select_n3A_93 : vector<16xi1>, vector<16xf32>
      %select_n3A_95 = arith.select %gt3A_92, %broadcast_in_dim3A_84, %select_n3A_80 : vector<16xi1>, vector<16xi32>
      %select_n3A_96 = arith.select %gt3A_91, %select_n3A_82, %select_n3A_95 : vector<16xi1>, vector<16xi32>
      %select_n3A_97 = arith.select %gt3A_91, %get3A_90, %select_n3A_81 : vector<16xi1>, vector<16xf32>
      %select_n3A_98 = arith.select %gt3A_91, %broadcast_in_dim3A_84, %select_n3A_82 : vector<16xi1>, vector<16xi32>
      %broadcast_in_dim3A_99 = arith.constant 5 : i32
      %broadcast_in_dim3A_100 = vector.broadcast %broadcast_in_dim3A_99 : i32 to vector<16xi32>
      %mul3A_101 = arith.constant 16 : i32
      %mul3A_102 = arith.muli %scan3A_16, %mul3A_101 : i32
      %get3A_103 = arith.constant 5 : i32
      %get3A_104 = arith.index_cast %get3A_103 : i32 to index
      %get3A_105 = arith.index_cast %mul3A_102 : i32 to index
      %get3A_106 = tpu.vector_load %arg5[%get3A_104, %get3A_105] {strides = array<i32>} : memref<16x512xf32, #tpu.memory_space<vmem>>, vector<16xf32>,
      %gt3A_107 = arith.cmpf ogt, %get3A_106, %select_n3A_97 : vector<16xf32>
      %gt3A_108 = arith.cmpf ogt, %get3A_106, %select_n3A_94 : vector<16xf32>
      %select_n3A_109 = arith.select %gt3A_108, %get3A_106, %select_n3A_94 : vector<16xi1>, vector<16xf32>
      %select_n3A_110 = arith.select %gt3A_107, %select_n3A_97, %select_n3A_109 : vector<16xi1>, vector<16xf32>
      %select_n3A_111 = arith.select %gt3A_108, %broadcast_in_dim3A_100, %select_n3A_96 : vector<16xi1>, vector<16xi32>
      %select_n3A_112 = arith.select %gt3A_107, %select_n3A_98, %select_n3A_111 : vector<16xi1>, vector<16xi32>
      %select_n3A_113 = arith.select %gt3A_107, %get3A_106, %select_n3A_97 : vector<16xi1>, vector<16xf32>
      %select_n3A_114 = arith.select %gt3A_107, %broadcast_in_dim3A_100, %select_n3A_98 : vector<16xi1>, vector<16xi32>
      %broadcast_in_dim3A_115 = arith.constant 6 : i32
      %broadcast_in_dim3A_116 = vector.broadcast %broadcast_in_dim3A_115 : i32 to vector<16xi32>
      %mul3A_117 = arith.constant 16 : i32
      %mul3A_118 = arith.muli %scan3A_16, %mul3A_117 : i32
      %get3A_119 = arith.constant 6 : i32
      %get3A_120 = arith.index_cast %get3A_119 : i32 to index
      %get3A_121 = arith.index_cast %mul3A_118 : i32 to index
      %get3A_122 = tpu.vector_load %arg5[%get3A_120, %get3A_121] {strides = array<i32>} : memref<16x512xf32, #tpu.memory_space<vmem>>, vector<16xf32>,
      %gt3A_123 = arith.cmpf ogt, %get3A_122, %select_n3A_113 : vector<16xf32>
      %gt3A_124 = arith.cmpf ogt, %get3A_122, %select_n3A_110 : vector<16xf32>
      %select_n3A_125 = arith.select %gt3A_124, %get3A_122, %select_n3A_110 : vector<16xi1>, vector<16xf32>
      %select_n3A_126 = arith.select %gt3A_123, %select_n3A_113, %select_n3A_125 : vector<16xi1>, vector<16xf32>
      %select_n3A_127 = arith.select %gt3A_124, %broadcast_in_dim3A_116, %select_n3A_112 : vector<16xi1>, vector<16xi32>
      %select_n3A_128 = arith.select %gt3A_123, %select_n3A_114, %select_n3A_127 : vector<16xi1>, vector<16xi32>
      %select_n3A_129 = arith.select %gt3A_123, %get3A_122, %select_n3A_113 : vector<16xi1>, vector<16xf32>
      %select_n3A_130 = arith.select %gt3A_123, %broadcast_in_dim3A_116, %select_n3A_114 : vector<16xi1>, vector<16xi32>
      %broadcast_in_dim3A_131 = arith.constant 7 : i32
      %broadcast_in_dim3A_132 = vector.broadcast %broadcast_in_dim3A_131 : i32 to vector<16xi32>
      %mul3A_133 = arith.constant 16 : i32
      %mul3A_134 = arith.muli %scan3A_16, %mul3A_133 : i32
      %get3A_135 = arith.constant 7 : i32
      %get3A_136 = arith.index_cast %get3A_135 : i32 to index
      %get3A_137 = arith.index_cast %mul3A_134 : i32 to index
      %get3A_138 = tpu.vector_load %arg5[%get3A_136, %get3A_137] {strides = array<i32>} : memref<16x512xf32, #tpu.memory_space<vmem>>, vector<16xf32>,
      %gt3A_139 = arith.cmpf ogt, %get3A_138, %select_n3A_129 : vector<16xf32>
      %gt3A_140 = arith.cmpf ogt, %get3A_138, %select_n3A_126 : vector<16xf32>
      %select_n3A_141 = arith.select %gt3A_140, %get3A_138, %select_n3A_126 : vector<16xi1>, vector<16xf32>
      %select_n3A_142 = arith.select %gt3A_139, %select_n3A_129, %select_n3A_141 : vector<16xi1>, vector<16xf32>
      %select_n3A_143 = arith.select %gt3A_140, %broadcast_in_dim3A_132, %select_n3A_128 : vector<16xi1>, vector<16xi32>
      %select_n3A_144 = arith.select %gt3A_139, %select_n3A_130, %select_n3A_143 : vector<16xi1>, vector<16xi32>
      %select_n3A_145 = arith.select %gt3A_139, %get3A_138, %select_n3A_129 : vector<16xi1>, vector<16xf32>
      %select_n3A_146 = arith.select %gt3A_139, %broadcast_in_dim3A_132, %select_n3A_130 : vector<16xi1>, vector<16xi32>
      %broadcast_in_dim3A_147 = arith.constant 8 : i32
      %broadcast_in_dim3A_148 = vector.broadcast %broadcast_in_dim3A_147 : i32 to vector<16xi32>
      %mul3A_149 = arith.constant 16 : i32
      %mul3A_150 = arith.muli %scan3A_16, %mul3A_149 : i32
      %get3A_151 = arith.constant 8 : i32
      %get3A_152 = arith.index_cast %get3A_151 : i32 to index
      %get3A_153 = arith.index_cast %mul3A_150 : i32 to index
      %get3A_154 = tpu.vector_load %arg5[%get3A_152, %get3A_153] {strides = array<i32>} : memref<16x512xf32, #tpu.memory_space<vmem>>, vector<16xf32>,
      %gt3A_155 = arith.cmpf ogt, %get3A_154, %select_n3A_145 : vector<16xf32>
      %gt3A_156 = arith.cmpf ogt, %get3A_154, %select_n3A_142 : vector<16xf32>
      %select_n3A_157 = arith.select %gt3A_156, %get3A_154, %select_n3A_142 : vector<16xi1>, vector<16xf32>
      %select_n3A_158 = arith.select %gt3A_155, %select_n3A_145, %select_n3A_157 : vector<16xi1>, vector<16xf32>
      %select_n3A_159 = arith.select %gt3A_156, %broadcast_in_dim3A_148, %select_n3A_144 : vector<16xi1>, vector<16xi32>
      %select_n3A_160 = arith.select %gt3A_155, %select_n3A_146, %select_n3A_159 : vector<16xi1>, vector<16xi32>
      %select_n3A_161 = arith.select %gt3A_155, %get3A_154, %select_n3A_145 : vector<16xi1>, vector<16xf32>
      %select_n3A_162 = arith.select %gt3A_155, %broadcast_in_dim3A_148, %select_n3A_146 : vector<16xi1>, vector<16xi32>
      %broadcast_in_dim3A_163 = arith.constant 9 : i32
      %broadcast_in_dim3A_164 = vector.broadcast %broadcast_in_dim3A_163 : i32 to vector<16xi32>
      %mul3A_165 = arith.constant 16 : i32
      %mul3A_166 = arith.muli %scan3A_16, %mul3A_165 : i32
      %get3A_167 = arith.constant 9 : i32
      %get3A_168 = arith.index_cast %get3A_167 : i32 to index
      %get3A_169 = arith.index_cast %mul3A_166 : i32 to index
      %get3A_170 = tpu.vector_load %arg5[%get3A_168, %get3A_169] {strides = array<i32>} : memref<16x512xf32, #tpu.memory_space<vmem>>, vector<16xf32>,
      %gt3A_171 = arith.cmpf ogt, %get3A_170, %select_n3A_161 : vector<16xf32>
      %gt3A_172 = arith.cmpf ogt, %get3A_170, %select_n3A_158 : vector<16xf32>
      %select_n3A_173 = arith.select %gt3A_172, %get3A_170, %select_n3A_158 : vector<16xi1>, vector<16xf32>
      %select_n3A_174 = arith.select %gt3A_171, %select_n3A_161, %select_n3A_173 : vector<16xi1>, vector<16xf32>
      %select_n3A_175 = arith.select %gt3A_172, %broadcast_in_dim3A_164, %select_n3A_160 : vector<16xi1>, vector<16xi32>
      %select_n3A_176 = arith.select %gt3A_171, %select_n3A_162, %select_n3A_175 : vector<16xi1>, vector<16xi32>
      %select_n3A_177 = arith.select %gt3A_171, %get3A_170, %select_n3A_161 : vector<16xi1>, vector<16xf32>
      %select_n3A_178 = arith.select %gt3A_171, %broadcast_in_dim3A_164, %select_n3A_162 : vector<16xi1>, vector<16xi32>
      %broadcast_in_dim3A_179 = arith.constant 10 : i32
      %broadcast_in_dim3A_180 = vector.broadcast %broadcast_in_dim3A_179 : i32 to vector<16xi32>
      %mul3A_181 = arith.constant 16 : i32
      %mul3A_182 = arith.muli %scan3A_16, %mul3A_181 : i32
      %get3A_183 = arith.constant 10 : i32
      %get3A_184 = arith.index_cast %get3A_183 : i32 to index
      %get3A_185 = arith.index_cast %mul3A_182 : i32 to index
      %get3A_186 = tpu.vector_load %arg5[%get3A_184, %get3A_185] {strides = array<i32>} : memref<16x512xf32, #tpu.memory_space<vmem>>, vector<16xf32>,
      %gt3A_187 = arith.cmpf ogt, %get3A_186, %select_n3A_177 : vector<16xf32>
      %gt3A_188 = arith.cmpf ogt, %get3A_186, %select_n3A_174 : vector<16xf32>
      %select_n3A_189 = arith.select %gt3A_188, %get3A_186, %select_n3A_174 : vector<16xi1>, vector<16xf32>
      %select_n3A_190 = arith.select %gt3A_187, %select_n3A_177, %select_n3A_189 : vector<16xi1>, vector<16xf32>
      %select_n3A_191 = arith.select %gt3A_188, %broadcast_in_dim3A_180, %select_n3A_176 : vector<16xi1>, vector<16xi32>
      %select_n3A_192 = arith.select %gt3A_187, %select_n3A_178, %select_n3A_191 : vector<16xi1>, vector<16xi32>
      %select_n3A_193 = arith.select %gt3A_187, %get3A_186, %select_n3A_177 : vector<16xi1>, vector<16xf32>
      %select_n3A_194 = arith.select %gt3A_187, %broadcast_in_dim3A_180, %select_n3A_178 : vector<16xi1>, vector<16xi32>
      %broadcast_in_dim3A_195 = arith.constant 11 : i32
      %broadcast_in_dim3A_196 = vector.broadcast %broadcast_in_dim3A_195 : i32 to vector<16xi32>
      %mul3A_197 = arith.constant 16 : i32
      %mul3A_198 = arith.muli %scan3A_16, %mul3A_197 : i32
      %get3A_199 = arith.constant 11 : i32
      %get3A_200 = arith.index_cast %get3A_199 : i32 to index
      %get3A_201 = arith.index_cast %mul3A_198 : i32 to index
      %get3A_202 = tpu.vector_load %arg5[%get3A_200, %get3A_201] {strides = array<i32>} : memref<16x512xf32, #tpu.memory_space<vmem>>, vector<16xf32>,
      %gt3A_203 = arith.cmpf ogt, %get3A_202, %select_n3A_193 : vector<16xf32>
      %gt3A_204 = arith.cmpf ogt, %get3A_202, %select_n3A_190 : vector<16xf32>
      %select_n3A_205 = arith.select %gt3A_204, %get3A_202, %select_n3A_190 : vector<16xi1>, vector<16xf32>
      %select_n3A_206 = arith.select %gt3A_203, %select_n3A_193, %select_n3A_205 : vector<16xi1>, vector<16xf32>
      %select_n3A_207 = arith.select %gt3A_204, %broadcast_in_dim3A_196, %select_n3A_192 : vector<16xi1>, vector<16xi32>
      %select_n3A_208 = arith.select %gt3A_203, %select_n3A_194, %select_n3A_207 : vector<16xi1>, vector<16xi32>
      %select_n3A_209 = arith.select %gt3A_203, %get3A_202, %select_n3A_193 : vector<16xi1>, vector<16xf32>
      %select_n3A_210 = arith.select %gt3A_203, %broadcast_in_dim3A_196, %select_n3A_194 : vector<16xi1>, vector<16xi32>
      %broadcast_in_dim3A_211 = arith.constant 12 : i32
      %broadcast_in_dim3A_212 = vector.broadcast %broadcast_in_dim3A_211 : i32 to vector<16xi32>
      %mul3A_213 = arith.constant 16 : i32
      %mul3A_214 = arith.muli %scan3A_16, %mul3A_213 : i32
      %get3A_215 = arith.constant 12 : i32
      %get3A_216 = arith.index_cast %get3A_215 : i32 to index
      %get3A_217 = arith.index_cast %mul3A_214 : i32 to index
      %get3A_218 = tpu.vector_load %arg5[%get3A_216, %get3A_217] {strides = array<i32>} : memref<16x512xf32, #tpu.memory_space<vmem>>, vector<16xf32>,
      %gt3A_219 = arith.cmpf ogt, %get3A_218, %select_n3A_209 : vector<16xf32>
      %gt3A_220 = arith.cmpf ogt, %get3A_218, %select_n3A_206 : vector<16xf32>
      %select_n3A_221 = arith.select %gt3A_220, %get3A_218, %select_n3A_206 : vector<16xi1>, vector<16xf32>
      %select_n3A_222 = arith.select %gt3A_219, %select_n3A_209, %select_n3A_221 : vector<16xi1>, vector<16xf32>
      %select_n3A_223 = arith.select %gt3A_220, %broadcast_in_dim3A_212, %select_n3A_208 : vector<16xi1>, vector<16xi32>
      %select_n3A_224 = arith.select %gt3A_219, %select_n3A_210, %select_n3A_223 : vector<16xi1>, vector<16xi32>
      %select_n3A_225 = arith.select %gt3A_219, %get3A_218, %select_n3A_209 : vector<16xi1>, vector<16xf32>
      %select_n3A_226 = arith.select %gt3A_219, %broadcast_in_dim3A_212, %select_n3A_210 : vector<16xi1>, vector<16xi32>
      %broadcast_in_dim3A_227 = arith.constant 13 : i32
      %broadcast_in_dim3A_228 = vector.broadcast %broadcast_in_dim3A_227 : i32 to vector<16xi32>
      %mul3A_229 = arith.constant 16 : i32
      %mul3A_230 = arith.muli %scan3A_16, %mul3A_229 : i32
      %get3A_231 = arith.constant 13 : i32
      %get3A_232 = arith.index_cast %get3A_231 : i32 to index
      %get3A_233 = arith.index_cast %mul3A_230 : i32 to index
      %get3A_234 = tpu.vector_load %arg5[%get3A_232, %get3A_233] {strides = array<i32>} : memref<16x512xf32, #tpu.memory_space<vmem>>, vector<16xf32>,
      %gt3A_235 = arith.cmpf ogt, %get3A_234, %select_n3A_225 : vector<16xf32>
      %gt3A_236 = arith.cmpf ogt, %get3A_234, %select_n3A_222 : vector<16xf32>
      %select_n3A_237 = arith.select %gt3A_236, %get3A_234, %select_n3A_222 : vector<16xi1>, vector<16xf32>
      %select_n3A_238 = arith.select %gt3A_235, %select_n3A_225, %select_n3A_237 : vector<16xi1>, vector<16xf32>
      %select_n3A_239 = arith.select %gt3A_236, %broadcast_in_dim3A_228, %select_n3A_224 : vector<16xi1>, vector<16xi32>
      %select_n3A_240 = arith.select %gt3A_235, %select_n3A_226, %select_n3A_239 : vector<16xi1>, vector<16xi32>
      %select_n3A_241 = arith.select %gt3A_235, %get3A_234, %select_n3A_225 : vector<16xi1>, vector<16xf32>
      %select_n3A_242 = arith.select %gt3A_235, %broadcast_in_dim3A_228, %select_n3A_226 : vector<16xi1>, vector<16xi32>
      %broadcast_in_dim3A_243 = arith.constant 14 : i32
      %broadcast_in_dim3A_244 = vector.broadcast %broadcast_in_dim3A_243 : i32 to vector<16xi32>
      %mul3A_245 = arith.constant 16 : i32
      %mul3A_246 = arith.muli %scan3A_16, %mul3A_245 : i32
      %get3A_247 = arith.constant 14 : i32
      %get3A_248 = arith.index_cast %get3A_247 : i32 to index
      %get3A_249 = arith.index_cast %mul3A_246 : i32 to index
      %get3A_250 = tpu.vector_load %arg5[%get3A_248, %get3A_249] {strides = array<i32>} : memref<16x512xf32, #tpu.memory_space<vmem>>, vector<16xf32>,
      %gt3A_251 = arith.cmpf ogt, %get3A_250, %select_n3A_241 : vector<16xf32>
      %gt3A_252 = arith.cmpf ogt, %get3A_250, %select_n3A_238 : vector<16xf32>
      %select_n3A_253 = arith.select %gt3A_252, %get3A_250, %select_n3A_238 : vector<16xi1>, vector<16xf32>
      %select_n3A_254 = arith.select %gt3A_251, %select_n3A_241, %select_n3A_253 : vector<16xi1>, vector<16xf32>
      %select_n3A_255 = arith.select %gt3A_252, %broadcast_in_dim3A_244, %select_n3A_240 : vector<16xi1>, vector<16xi32>
      %select_n3A_256 = arith.select %gt3A_251, %select_n3A_242, %select_n3A_255 : vector<16xi1>, vector<16xi32>
      %select_n3A_257 = arith.select %gt3A_251, %get3A_250, %select_n3A_241 : vector<16xi1>, vector<16xf32>
      %select_n3A_258 = arith.select %gt3A_251, %broadcast_in_dim3A_244, %select_n3A_242 : vector<16xi1>, vector<16xi32>
      %broadcast_in_dim3A_259 = arith.constant 15 : i32
      %broadcast_in_dim3A_260 = vector.broadcast %broadcast_in_dim3A_259 : i32 to vector<16xi32>
      %mul3A_261 = arith.constant 16 : i32
      %mul3A_262 = arith.muli %scan3A_16, %mul3A_261 : i32
      %get3A_263 = arith.constant 15 : i32
      %get3A_264 = arith.index_cast %get3A_263 : i32 to index
      %get3A_265 = arith.index_cast %mul3A_262 : i32 to index
      %get3A_266 = tpu.vector_load %arg5[%get3A_264, %get3A_265] {strides = array<i32>} : memref<16x512xf32, #tpu.memory_space<vmem>>, vector<16xf32>,
      %gt3A_267 = arith.cmpf ogt, %get3A_266, %select_n3A_257 : vector<16xf32>
      %gt3A_268 = arith.cmpf ogt, %get3A_266, %select_n3A_254 : vector<16xf32>
      %select_n3A_269 = arith.select %gt3A_268, %get3A_266, %select_n3A_254 : vector<16xi1>, vector<16xf32>
      %select_n3A_270 = arith.select %gt3A_267, %select_n3A_257, %select_n3A_269 : vector<16xi1>, vector<16xf32>
      %select_n3A_271 = arith.select %gt3A_268, %broadcast_in_dim3A_260, %select_n3A_256 : vector<16xi1>, vector<16xi32>
      %select_n3A_272 = arith.select %gt3A_267, %select_n3A_258, %select_n3A_271 : vector<16xi1>, vector<16xi32>
      %select_n3A_273 = arith.select %gt3A_267, %get3A_266, %select_n3A_257 : vector<16xi1>, vector<16xf32>
      %select_n3A_274 = arith.select %gt3A_267, %broadcast_in_dim3A_260, %select_n3A_258 : vector<16xi1>, vector<16xi32>
      %sub3A = arith.subf %select_n3A_270, %select_n3A_273 : vector<16xf32>
      %exp3A = math.exp %sub3A : vector<16xf32>
      %add3A_275 = arith.constant 1.000000e+00 : f32
      %add3A_276 = vector.broadcast %add3A_275 : f32 to vector<16xf32>
      %add3A_277 = arith.addf %add3A_276, %exp3A : vector<16xf32>
      %div3A = arith.constant 1.000000e+00 : f32
      %div3A_278 = vector.broadcast %div3A : f32 to vector<16xf32>
      %div3A_279 = arith.divf %div3A_278, %add3A_277 : vector<16xf32>
      %sub3A_280 = arith.constant 1.000000e+00 : f32
      %sub3A_281 = vector.broadcast %sub3A_280 : f32 to vector<16xf32>
      %sub3A_282 = arith.subf %sub3A_281, %div3A_279 : vector<16xf32>
      %jit3A = arith.constant 8 : i32
      %div3A_283 = arith.divsi %scan3A_16, %jit3A : i32
      %sign3A = arith.constant 0 : i32
      %sign3A_284 = arith.cmpi sgt, %scan3A_16, %sign3A : i32
      %sign3A_285 = arith.extui %sign3A_284 : i1 to i32
      %sign3A_286 = arith.constant 0 : i32
      %sign3A_287 = arith.cmpi slt, %scan3A_16, %sign3A_286 : i32
      %sign3A_288 = arith.extui %sign3A_287 : i1 to i32
      %sign3A_289 = arith.subi %sign3A_285, %sign3A_288 : i32
      %sign3A_290 = arith.constant 0 : i32
      %sign3A_291 = arith.cmpi sgt, %jit3A, %sign3A_290 : i32
      %sign3A_292 = arith.extui %sign3A_291 : i1 to i32
      %sign3A_293 = arith.constant 0 : i32
      %sign3A_294 = arith.cmpi slt, %jit3A, %sign3A_293 : i32
      %sign3A_295 = arith.extui %sign3A_294 : i1 to i32
      %sign3A_296 = arith.subi %sign3A_292, %sign3A_295 : i32
      %ne3A = arith.cmpi ne, %sign3A_289, %sign3A_296 : i32
      %rem3A = arith.remsi %scan3A_16, %jit3A : i32
      %ne3A_297 = arith.constant 0 : i32
      %ne3A_298 = arith.cmpi ne, %rem3A, %ne3A_297 : i32
      %and3A = arith.andi %ne3A, %ne3A_298 : i1
      %sub3A_299 = arith.constant 1 : i32
      %sub3A_300 = arith.subi %div3A_283, %sub3A_299 : i32
      %select_n3A_301 = arith.select %and3A, %sub3A_300, %div3A_283 : i32
      %mul3A_302 = arith.constant 256 : i32
      %mul3A_303 = arith.muli %select_n3A_301, %mul3A_302 : i32
      %jit3A_304 = arith.constant 8 : i32
      %eq3A = arith.constant 0 : i32
      %eq3A_305 = arith.cmpi eq, %jit3A_304, %eq3A : i32
      %jit3A_306 = arith.constant 1 : i32
      %select_n3A_307 = arith.select %eq3A_305, %jit3A_306, %jit3A_304 : i32
      %rem3A_308 = arith.remsi %scan3A_16, %select_n3A_307 : i32
      %ne3A_309 = arith.constant 0 : i32
      %ne3A_310 = arith.cmpi ne, %rem3A_308, %ne3A_309 : i32
      %lt3A = arith.constant 0 : i32
      %lt3A_311 = arith.cmpi slt, %rem3A_308, %lt3A : i32
      %lt3A_312 = arith.constant 0 : i32
      %lt3A_313 = arith.cmpi slt, %select_n3A_307, %lt3A_312 : i32
      %ne3A_314 = arith.xori %lt3A_311, %lt3A_313 : i1
      %and3A_315 = arith.andi %ne3A_314, %ne3A_310 : i1
      %add3A_316 = arith.addi %rem3A_308, %select_n3A_307 : i32
      %select_n3A_317 = arith.select %and3A_315, %add3A_316, %rem3A_308 : i32
      %mul3A_318 = arith.constant 16 : i32
      %mul3A_319 = arith.muli %select_n3A_317, %mul3A_318 : i32
      %add3A_320 = arith.addi %mul3A_303, %mul3A_319 : i32
      %add3A_321 = vector.broadcast %add3A_320 : i32 to vector<16xi32>
      %add3A_322 = arith.addi %add3A_321, %iota3A : vector<16xi32>
      tpu.vector_store_idx %arg6[%add3A_322], %div3A_279 : memref<1024xf32, #tpu.memory_space<vmem>>[vector<16xi32>], vector<16xf32>,
      %add3A_323 = arith.constant 128 : i32
      %add3A_324 = arith.addi %add3A_320, %add3A_323 : i32
      %add3A_325 = vector.broadcast %add3A_324 : i32 to vector<16xi32>
      %add3A_326 = arith.addi %add3A_325, %iota3A : vector<16xi32>
      tpu.vector_store_idx %arg6[%add3A_326], %sub3A_282 : memref<1024xf32, #tpu.memory_space<vmem>>[vector<16xi32>], vector<16xf32>,
      %add3A_327 = vector.broadcast %add3A_320 : i32 to vector<16xi32>
      %add3A_328 = arith.addi %add3A_327, %iota3A : vector<16xi32>
      tpu.vector_store_idx %arg7[%add3A_328], %select_n3A_274 : memref<1024xi32, #tpu.memory_space<vmem>>[vector<16xi32>], vector<16xi32>,
      %add3A_329 = arith.constant 128 : i32
      %add3A_330 = arith.addi %add3A_320, %add3A_329 : i32
      %add3A_331 = vector.broadcast %add3A_330 : i32 to vector<16xi32>
      %add3A_332 = arith.addi %add3A_331, %iota3A : vector<16xi32>
      tpu.vector_store_idx %arg7[%add3A_332], %select_n3A_272 : memref<1024xi32, #tpu.memory_space<vmem>>[vector<16xi32>], vector<16xi32>,
    }
    %scan3A_7 = arith.constant 32 : i32
    %mul3A_8 = arith.constant 2 : i32
    %mul3A_9 = arith.muli %add3A, %mul3A_8 : i32
    %mul3A_10 = arith.constant 512 : i32
    %mul3A_11 = arith.muli %mul3A_9, %mul3A_10 : i32
    "tpu.region"() ({
      %run_scoped3A = tpu.sem_alloc : memref<!tpu.dma_semaphore, #tpu.memory_space<semaphore_mem>>
      %dma_start3A = tpu.memref_slice %arg3[%mul3A_11] : memref<32768xf32, #tpu.memory_space<hbm>> -> memref<1024xf32, #tpu.memory_space<hbm>>
      %dma_start3A_16 = tpu.memref_slice %arg3[%mul3A_11] : memref<32768xf32, #tpu.memory_space<hbm>> -> memref<1024xf32, #tpu.memory_space<hbm>>
      tpu.enqueue_dma source(%arg6 : memref<1024xf32, #tpu.memory_space<vmem>>) target(%dma_start3A_16 : memref<1024xf32, #tpu.memory_space<hbm>>) target_semaphore(%run_scoped3A : memref<!tpu.dma_semaphore, #tpu.memory_space<semaphore_mem>>)
      %dma_wait3A = tpu.memref_slice %arg3[%mul3A_11] : memref<32768xf32, #tpu.memory_space<hbm>> -> memref<1024xf32, #tpu.memory_space<hbm>>
      %dma_wait3A_17 = tpu.memref_slice %arg3[%mul3A_11] : memref<32768xf32, #tpu.memory_space<hbm>> -> memref<1024xf32, #tpu.memory_space<hbm>>
      tpu.wait_dma2 semaphore(%run_scoped3A : memref<!tpu.dma_semaphore, #tpu.memory_space<semaphore_mem>>) src(%arg6 : memref<1024xf32, #tpu.memory_space<vmem>>) dst(%dma_wait3A_17 : memref<1024xf32, #tpu.memory_space<hbm>>)
      tpu.yield
    }) : () -> ()
    %mul3A_12 = arith.constant 2 : i32
    %mul3A_13 = arith.muli %add3A, %mul3A_12 : i32
    %mul3A_14 = arith.constant 512 : i32
    %mul3A_15 = arith.muli %mul3A_13, %mul3A_14 : i32
    "tpu.region"() ({
      %run_scoped3A = tpu.sem_alloc : memref<!tpu.dma_semaphore, #tpu.memory_space<semaphore_mem>>
      %dma_start3A = tpu.memref_slice %arg4[%mul3A_15] : memref<32768xi32, #tpu.memory_space<hbm>> -> memref<1024xi32, #tpu.memory_space<hbm>>
      %dma_start3A_16 = tpu.memref_slice %arg4[%mul3A_15] : memref<32768xi32, #tpu.memory_space<hbm>> -> memref<1024xi32, #tpu.memory_space<hbm>>
      tpu.enqueue_dma source(%arg7 : memref<1024xi32, #tpu.memory_space<vmem>>) target(%dma_start3A_16 : memref<1024xi32, #tpu.memory_space<hbm>>) target_semaphore(%run_scoped3A : memref<!tpu.dma_semaphore, #tpu.memory_space<semaphore_mem>>)
      %dma_wait3A = tpu.memref_slice %arg4[%mul3A_15] : memref<32768xi32, #tpu.memory_space<hbm>> -> memref<1024xi32, #tpu.memory_space<hbm>>
      %dma_wait3A_17 = tpu.memref_slice %arg4[%mul3A_15] : memref<32768xi32, #tpu.memory_space<hbm>> -> memref<1024xi32, #tpu.memory_space<hbm>>
      tpu.wait_dma2 semaphore(%run_scoped3A : memref<!tpu.dma_semaphore, #tpu.memory_space<semaphore_mem>>) src(%arg7 : memref<1024xi32, #tpu.memory_space<vmem>>) dst(%dma_wait3A_17 : memref<1024xi32, #tpu.memory_space<hbm>>)
      tpu.yield
    }) : () -> ()
    return
  }
}

module attributes {stable_mosaic.version = 14 : i64} {
  func.func @_mm_body(%arg0: i32, %arg1: memref<16x2048xf32, #tpu.memory_space<vmem>>, %arg2: memref<1024x2048xf32, #tpu.memory_space<vmem>>, %arg3: memref<16x1024xf32, #tpu.memory_space<vmem>>) attributes {dimension_semantics = [#tpu.dimension_semantics<arbitrary>], iteration_bounds = array<i64: 16>, scalar_prefetch = 0 : i64, scratch_operands = 0 : i64, tpu.core_type = #tpu.core_type<tc>, window_params = [{pipeline_mode = #tpu.pipeline_mode<synchronous>, transform_indices = @transform_0, window_bounds = array<i64: 16, 2048>}, {transform_indices = @transform_1, window_bounds = array<i64: 1024, 2048>}, {transform_indices = @transform_2, window_bounds = array<i64: 16, 1024>}]} {
    %get3A = arith.constant 0 : index
    %get3A_0 = arith.constant 0 : index
    %get3A_1 = vector.load %arg1[%get3A, %get3A_0] : memref<16x2048xf32, #tpu.memory_space<vmem>>, vector<16x2048xf32>
    %get3A_2 = arith.constant 0 : index
    %get3A_3 = arith.constant 0 : index
    %get3A_4 = vector.load %arg2[%get3A_2, %get3A_3] : memref<1024x2048xf32, #tpu.memory_space<vmem>>, vector<1024x2048xf32>
    %dot_general3A = arith.constant dense<0.000000e+00> : vector<16x1024xf32>
    %dot_general3A_5 = tpu.matmul %get3A_1, %get3A_4, %dot_general3A {dimension_numbers = #tpu.dot_dimension_numbers<[1], [1], [0], [0], [0, 0, 1, 0], [], []>, transpose_lhs_hint = false} : vector<16x2048xf32>, vector<1024x2048xf32>, vector<16x1024xf32> -> vector<16x1024xf32>
    %swap3A = arith.constant 0 : index
    %swap3A_6 = arith.constant 0 : index
    %swap3A_7 = vector.load %arg3[%swap3A, %swap3A_6] : memref<16x1024xf32, #tpu.memory_space<vmem>>, vector<16x1024xf32>
    tpu.vector_store %arg3[%swap3A, %swap3A_6], %dot_general3A_5 {strides = array<i32>} : memref<16x1024xf32, #tpu.memory_space<vmem>>, vector<16x1024xf32>,
    return
  }
  func.func @transform_0(%arg0: i32) -> (i32, i32) {
    %c0_i32 = arith.constant 0 : i32
    %c0_i32_0 = arith.constant 0 : i32
    %c0_i32_1 = arith.constant 0 : i32
    return %c0_i32, %c0_i32_0 : i32, i32
  }
  func.func @transform_1(%arg0: i32) -> (i32, i32) {
    %c0_i32 = arith.constant 0 : i32
    %c0_i32_0 = arith.constant 0 : i32
    return %arg0, %c0_i32 : i32, i32
  }
  func.func @transform_2(%arg0: i32) -> (i32, i32) {
    %c0_i32 = arith.constant 0 : i32
    %c0_i32_0 = arith.constant 0 : i32
    return %c0_i32, %arg0 : i32, i32
  }
}

</mosaic_0001>

<sc_bundles>
// kernel: kernel.4.cloned.1.call-start
scs
__scs_entry_jumppad:
0x0: {  	(pc) =	sbr.rel $0x88, $3  }
0x1: {  	(tag) =	ssettag $0x0;
	lr =	simm.s32 $0x1  }
0x2: {  	[smem:$0x3F9F] =	sst lr;
	_ =	strace $0xD0000000  }
0x3: {  	_ = 	snop  }
0x4: {  	_ = 	snop  }
0x5: {  	_ = 	snop  }
0x6: {  	_ = 	snop  }
0x7: {  	_ = 	snop  }
__scs_overlays_trampoline_lowered:
0x8: {  	[smem:$0x3FAE] =	sst s0  }
0x9: {  	[smem:$0x3FAF] =	sst s1  }
0xa: {  	[smem:$0x3FB0] =	sst s2  }
0xb: {  	[smem:$0x3FB1] =	sst s3  }
0xc: {  	[smem:$0x3FB2] =	sst s4  }
0xd: {  	[smem:$0x3FB3] =	sst s5  }
0xe: {  	[smem:$0x3FB4] =	sst s6  }
0xf: {  	[smem:$0x3FB5] =	sst s7  }
0x10: {  	[smem:$0x3FB6] =	sst s8  }
0x11: {  	[smem:$0x3FB7] =	sst s9;
	s0 =	simm.s32 @!p0 $0x0  }
0x12: {  	s1 =	sld [smem:$0x3F9D];
	s0 =	simm.s32 @p0 $0x1  }
0x13: {  	[smem:$0x3FB8] =	sst s0;
	s0 =	simm.s32 @!p1 $0x0  }
0x14: {  	s2 =	sld [smem:$0x3F9C];
	s0 =	simm.s32 @p1 $0x1  }
0x15: {  	[smem:$0x3FB9] =	sst s0;
	s0 =	simm.s32 @!p2 $0x0  }
0x16: {  	s3 =	sld [smem:$0x3FDB];
	s0 =	simm.s32 @p2 $0x1  }
0x17: {  	s4 =	simm.s32 $0x1BF5;
	[smem:$0x3FBB] =	sst s0  }
0x18: {  	s0 =	sld [smem:$0x3F9E];
	_ =	swait.ge [sflag:s4], $0x0  }
0x19: {  	s7 =	sld [smem:$0x3F9F]  }
0x1a: {  	s8 =	sadd.s32 $0xFFFFE003, lr  }
0x1b: {  	s9 =	sadd.s32 $0xFFFFFEF7, lr;
	s5 =	simm.s32 $0xFFFFFFFF;
	p2 =	slt.u32 s8, $0xFFFFF086  }
0x1c: {  	p1 =	slt.u32 s9, $0xF7A;
	s5 =	simm.s32 @!p2 $0x0  }
0x1d: {  	s5 =	simm.s32 @p1 $0x1;
	p0 =	seq.s32 s7, s2  }
0x1e: {  	s7 =	smul.u32 @!p0 $0xF7A, s2;
	p2 =	seq.s32 @!p0 s5, $0x0  }
0x1f: {  	s9 =	smul.u32 $0xF7A, s1;
	s8 =	simm.s32 @!p0 $0x1BF5;
	p2 =	por !p2, p0  }
0x20: {  	[sflag:s8] =	ssyncset.s32 @!p0 $0xFFFFF086;
	s6 =	sadd.s32 @!p0 s3, s7;
	s7 =	simm.s32 @!p0 $0x108  }
0x21: {  	s3 =	sadd.s32 s3, s9;
	s6 =	sadd.s32 @!p0 $0x88, s6;
	s7 =	simm.s32 @p2 $0x1082  }
0x22: {  	[simem:s7], [sflag:s8] =	dma.local @!p0 [hbm:s6], $0xF7A  }
0x23: {  	s9 =	sor.u32 $0xD0000000, s2;
	s6 =	simm.s32 $0x108;
	_ =	swait.ge @!p0 [sflag:s8], $0x0  }
0x24: {  	s3 =	sadd.s32 $0x88, s3;
	s6 =	simm.s32 @!p1 $0x1082;
	[sflag:s4] =	ssyncset.s32 $0xFFFFF086  }
0x25: {  	[simem:s6], [sflag:s4] =	dma.local [hbm:s3], $0xF7A  }
0x26: {  	[smem:$0x3F9F] =	sst s1;
	(tag) =	ssettag s2;
	_ =	strace s9  }
0x27: {  	s1 =	sld [smem:$0x3FAF]  }
0x28: {  	s2 =	sld [smem:$0x3FB0]  }
0x29: {  	s4 =	sld [smem:$0x3FB2]  }
0x2a: {  	p0 =	seq.s32 s5, $0x0;
	s5 =	sld [smem:$0x3FB3]  }
0x2b: {  	s6 =	sld [smem:$0x3FB4]  }
0x2c: {  	s7 =	sld [smem:$0x3FB5]  }
0x2d: {  	s3 =	simm.s32 $0x108;
	s8 =	sld [smem:$0x3FB6]  }
0x2e: {  	s3 =	simm.s32 @!p0 $0x1082;
	s9 =	sld [smem:$0x3FB7]  }
0x2f: {  	lr =	sadd.s32 s0, s3;
	s0 =	sld [smem:$0x3FAE]  }
0x30: {  	s3 =	sld [smem:$0x3FB1]  }
0x31: {  	[smem:$0x3FBA] =	sst s10  }
0x32: {  	s10 =	sld [smem:$0x3FB8];
	_ =	sdelay $0x3  }
0x33: {  	p0 =	seq.s32 s10, $0x1;
	s10 =	sld [smem:$0x3FBA];
	_ =	sdelay $0x3  }
0x34: {  	[smem:$0x3FBA] =	sst s10  }
0x35: {  	s10 =	sld [smem:$0x3FB9];
	_ =	sdelay $0x3  }
0x36: {  	p1 =	seq.s32 s10, $0x1;
	s10 =	sld [smem:$0x3FBA];
	_ =	sdelay $0x3  }
0x37: {  	[smem:$0x3FBA] =	sst s10  }
0x38: {  	s10 =	sld [smem:$0x3FBB]  }
0x39: {  	_ = 	snop;
	(pc) =	sbr.ind lr, $3  }
0x3a: {  	_ = 	snop  }
0x3b: {  	_ = 	snop  }
0x3c: {  	p2 =	seq.s32 s10, $0x1;
	s10 =	sld [smem:$0x3FBA]  }
0x3d: {  	_ =	shalt  }
0x3e: {  	_ =	shalt  }
0x3f: {  	_ =	shalt  }
0x40: {  	_ =	shalt  }
0x41: {  	_ =	shalt  }
0x42: {  	_ =	shalt  }
0x43: {  	_ =	shalt  }
0x44: {  	_ =	shalt  }
0x45: {  	_ =	shalt  }
0x46: {  	_ =	shalt  }
0x47: {  	_ =	shalt  }
0x48: {  	_ =	shalt  }
0x49: {  	_ =	shalt  }
0x4a: {  	_ =	shalt  }
0x4b: {  	_ =	shalt  }
0x4c: {  	_ =	shalt  }
0x4d: {  	_ =	shalt  }
0x4e: {  	_ =	shalt  }
0x4f: {  	_ =	shalt  }
0x50: {  	_ =	shalt  }
0x51: {  	_ =	shalt  }
0x52: {  	_ =	shalt  }
0x53: {  	_ =	shalt  }
0x54: {  	_ =	shalt  }
0x55: {  	_ =	shalt  }
0x56: {  	_ =	shalt  }
0x57: {  	_ =	shalt  }
0x58: {  	_ =	shalt  }
0x59: {  	_ =	shalt  }
0x5a: {  	_ =	shalt  }
0x5b: {  	_ =	shalt  }
0x5c: {  	_ =	shalt  }
0x5d: {  	_ =	shalt  }
0x5e: {  	_ =	shalt  }
0x5f: {  	_ =	shalt  }
0x60: {  	_ =	shalt  }
0x61: {  	_ =	shalt  }
0x62: {  	_ =	shalt  }
0x63: {  	_ =	shalt  }
0x64: {  	_ =	shalt  }
0x65: {  	_ =	shalt  }
0x66: {  	_ =	shalt  }
0x67: {  	_ =	shalt  }
0x68: {  	_ =	shalt  }
0x69: {  	_ =	shalt  }
0x6a: {  	_ =	shalt  }
0x6b: {  	_ =	shalt  }
0x6c: {  	_ =	shalt  }
0x6d: {  	_ =	shalt  }
0x6e: {  	_ =	shalt  }
0x6f: {  	_ =	shalt  }
0x70: {  	_ =	shalt  }
0x71: {  	_ =	shalt  }
0x72: {  	_ =	shalt  }
0x73: {  	_ =	shalt  }
0x74: {  	_ =	shalt  }
0x75: {  	_ =	shalt  }
0x76: {  	_ =	shalt  }
0x77: {  	_ =	shalt  }
0x78: {  	_ =	shalt  }
0x79: {  	_ =	shalt  }
0x7a: {  	_ =	shalt  }
0x7b: {  	_ =	shalt  }
0x7c: {  	_ =	shalt  }
0x7d: {  	_ =	shalt  }
0x7e: {  	_ =	shalt  }
0x7f: {  	_ =	shalt  }
0x80: {  	_ =	shalt  }
0x81: {  	_ =	shalt  }
0x82: {  	_ =	shalt  }
0x83: {  	_ =	shalt  }
0x84: {  	_ =	shalt  }
0x85: {  	_ =	shalt  }
0x86: {  	_ =	shalt  }
0x87: {  	_ =	shalt  }
.Lfunc_end0:
.L_simem_size_0:
called_computation_lowered:
.L_overlay_start_0:
0x88: {  	s2 =	sld [smem:$0x3FD9]  }
0x89: {  	s3 =	sld [smem:$0x3FFE];
	_ =	sdelay $0x1  }
0x8a: {  	s1 =	srdreg.scid  }
0x8b: {  	s0 =	sand.u32 $0x1, s1  }
0x8c: {  	s14 =	sshll.u32 s0, $0xA;
	s2 =	sadd.s32 s3, s2  }
0x8d: {  	s2 =	sadd.s32 s2, s14  }
0x8e: {  	[smem:$0x3FC6] =	sst s2  }
0x8f: {  	_ = 	snop  }
0x90: {  	s2 =	sld [smem:$0x3FD0];
	_ =	sdelay $0x2  }
0x91: {  	s15 =	simm.s32 $0xA;
	s4 =	simm.s32 $0x10  }
0x92: {  	[smem:s4], [sflag:s15] =	dma.local [hbm:s2], $0x1  }
0x93: {  	_ =	swait.eq [sflag:s15], $0x1  }
0x94: {  	[sflag:s15] =	ssyncset.done $0x0  }
0x95: {  	s16 =	sld [smem:$0x10];
	[sflag:s15] =	ssyncadd.s32 $0xFFFFFFFF  }
0x96: {  	s17 =	sld [smem:$0x11];
	(tm) =	ssettm $0x1  }
0x97: {  	s18 =	sld [smem:$0x3FFB];
	_ =	sdelay $0x3  }
0x98: {  	_ =	strace s18  }
0x99: {  	s4 =	sld [smem:$0x3FFC];
	_ =	sdelay $0x3  }
0x9a: {  	_ =	strace s4  }
0x9b: {  	s4 =	sld [smem:$0x3FFD];
	_ =	sdelay $0x3  }
0x9c: {  	_ =	strace s4  }
0x9d: {  	_ =	strace $0x8FFFFFFF  }
0x9e: {  	s19 =	sld [smem:$0x3FDB];
	_ =	sdelay $0x1  }
0x9f: {  	s5 =	simm.s32 $_scs_section_size  }
0xa0: {  	s6 =	simm.s32 $_size__tile_overlayer_lowered;
	s7 =	simm.s32 $_tile_overlayer_lowered  }
0xa1: {  	s22 =	simm.s32 $0x1BFF;
	s21 =	sshll.u32 s7, $0x1;
	s4 =	sadd.s32 s5, s19  }
0xa2: {  	s8 =	simm.s32 $0x0;
	s20 =	sshll.u32 s6, $0x1;
	s6 =	sadd.s32 s21, s4  }
0xa3: {  	[timem:s8], [sflag:s22] =	dma.local [hbm:s6], s20  }
0xa4: {  	_ =	swait.ge [sflag:s22], s20  }
0xa5: {  	s5 =	ssub.s32 $0x0, s20;
	[sflag:s22] =	ssyncset.done $0x0  }
0xa6: {  	[sflag:s22] =	ssyncadd.s32 s5;
	_ =	sdelay $0x1  }
0xa7: {  	s23 =	simm.s32 $0x1B8B  }
0xa8: {  	_ =	swait.ge [sflag:s23], $0x1  }
0xa9: {  	[sflag:s23] =	ssyncset.done $0x0  }
0xaa: {  	s25 =	simm.s32 $0x1B8E;
	s24 =	sld [smem:$0x3FFE];
	[sflag:s23] =	ssyncadd.s32 $0xFFFFFFFF  }
0xab: {  	s26 =	simm.s32 $execute0_lowered;
	[smem:$0x3FD2] =	sst s25  }
0xac: {  	s6 =	sshll.u32 s26, $0x1;
	_ =	strace $0x80000046;
	[dreg:$0x1] =	wrdreg $0xFFFFFFFF  }
0xad: {  	s28 =	simm.s32 $_size_execute0_lowered;
	s4 =	sadd.s32 s4, s6;
	[dreg:$0x0] =	wrdreg $0x0  }
0xae: {  	s6 =	sshll.u32 s28, $0x1;
	[dreg:$0x2] =	wrdreg s4  }
0xaf: {  	[dreg:$0x3] =	wrdreg s6  }
0xb0: {  	[dreg:$0x4] =	wrdreg $0xC0  }
0xb1: {  	_ =	task [dreg:s8], $0x5FFFF  }
0xb2: {  	[dreg:$0x1] =	wrdreg $0xFFFFFFFF  }
0xb3: {  	[dreg:$0x0] =	wrdreg $0x60  }
0xb4: {  	[dreg:$0x2] =	wrdreg s24  }
0xb5: {  	[dreg:$0x3] =	wrdreg s16  }
0xb6: {  	[dreg:$0x4] =	wrdreg s17  }
0xb7: {  	[dreg:$0x5] =	wrdreg $0x9  }
0xb8: {  	_ =	task.clear_ibuf [dreg:s8], $0x6FFFF;
	_ =	strace $0x90000046  }
0xb9: {  	s29 =	simm.s32 $0x9;
	_ =	strace $0x80000048  }
0xba: {  	_ =	swait.ge [sflag:s29], $0x1  }
0xbb: {  	[sflag:s29] =	ssyncadd.s32 $0xFFFFFFFF  }
0xbc: {  	_ =	strace $0x90000048  }
0xbd: {  	_ =	sfence  }
0xbe: {  	s30 =	sld [smem:$0x0];
	_ =	sdelay $0x2  }
0xbf: {  	s31 =	sshll.u32 s1, $0xD;
	s1 =	sshrl.u32 s1, $0x2  }
0xc0: {  	s3 =	sand.u32 $0x4000, s31;
	s1 =	sadd.s32 s1, s30  }
0xc1: {  	s0 =	sor.u32 s3, s0;
	s1 =	sshll.u32 s1, $0x11  }
0xc2: {  	s0 =	sor.u32 s1, s0  }
0xc3: {  	s0 =	sadd.s32 $0x8F2B, s0  }
0xc4: {  	[sflag:s0] =	ssyncadd.remote.s32 $0x1  }
0xc5: {  	_ =	sfence.sel $0xFFFF  }
0xc6: {  	[dreg:$0x0] =	wrdreg $0xFFFFFFFF;
	(pc) =	sbr.abs _section_cstart, $3  }
0xc7: {  	[dreg:$0x1] =	wrdreg $0xFFFFFFFF  }
0xc8: {  	_ =	task.clear_ibuf [dreg:s8], $0x2FFFF;
	_ =	strace $0x9FFFFFFF  }
0xc9: {  	(tm) =	ssettm $0x7FFFFFFF  }
tec
execute0_lowered:
.L_overlay_start_1:
0x0: {  	(tag) =	ssettag $0x1  }
0x1: {  	s3 =	rddreg [dreg:$0x0]  }
0x2: {  	s4 =	rddreg [dreg:$0x1]  }
0x3: {  	s1 =	srdreg.scid;
	s0 =	stileid.u32  }
0x4: {  	s5 =	rddreg [dreg:$0x2];
	s2 =	simm.s32 $0x0;
	s9 =	simm.s32 $0x1  }
0x5: {  	s10 =	simm.s32 $0x2000;
	s11 =	simm.s32 $0x2400;
	s12 =	simm.s32 $0x0  }
0x6: {  	s6 =	sand.u32 $0x1, s1;
	s7 =	sshll.u32 s0, $0x1;
	s1 =	rddreg [dreg:$0x3]  }
0x7: {  	[smem:$0x7FF] =	sst s2;
	s7 =	sor.u32 s6, s7;
	s6 =	ssub.s32 $0x2, s6  }
0x8: {  	_ =	strace $0x80000047;
	s8 =	sshll.u32 s7, $0x9;
	s31 =	sshrl.u32 s6, $0x1  }
0x9: {  	s7 =	sshll.u32 s7, $0x7;
	s3 =	sadd.s32 s8, s3;
	s6 =	ssub.s32 s6, s31  }
0xa: {  	s4 =	sadd.s32 s4, s7;
	s5 =	sadd.s32 s5, s7;
	s7 =	simm.s32 $0x1000  }
0xb: {  	v0 =	vimm.s32 $0x0;
	v1 =	vlaneseq.u32;
	s8 =	simm.s32 $0x20000;
	s3 =	sadd.s32 $0xC00, s3;
	s6 =	smax.u32 s6, $0x1  }
.LBB2_1:
0xc: {  	[tilespmem:s2], [sflag:$0x1] =	stream.strided.gather [hbm4b:s3+s7], $0x2000, s8, s7, $0x38;
	[tilespmem:$0x2800] =	vst v63  }
0xd: {  	_ =	swait.ge [sflag:s9], $0x2000  }
0xe: {  	s13 =	sand.u32 $0x70, s2;
	s14 =	sand.u32 $0xC00, s2;
	[sflag:s9] =	ssyncset.done $0x0  }
0xf: {  	s14 =	sor.u32 s13, s14;
	[sflag:s9] =	ssyncadd.s32 $0xFFFFE000  }
0x10: {  	v2 =	vld [tilespmem:s14+$0x0];
	_ =	sdelay $0x1  }
0x11: {  	v3 =	vld [tilespmem:s14+$0x80];
	_ =	sdelay $0x2  }
0x12: {  	vm0 =	vgt.f32 v2, $-Inf  }
0x13: {  	v2 =	vnsel vm0, $0xFF800000, v2  }
0x14: {  	v5 =	vimm.s32 $0x0;
	vm2 =	vgt.f32 v3, v2  }
0x15: {  	v4 =	vld [tilespmem:s14+$0x100];
	vm12 =	vlt.f32 v3, $-Inf;
	vm1 =	vgt.f32 v3, $-Inf;
	v5 =	vsel vm2, $0xFFFFFFFF, v5  }
0x16: {  	vm0 =	vmor vm1, vm12;
	[tilespmem:$0x1FF10] =	vst v5;
	v5 =	vimm.s32 $0x0  }
0x17: {  	v5 =	vsel vm0, $0xFFFFFFFF, v5  }
0x18: {  	vm12 =	vmneg vm2;
	[tilespmem:$0x1FF00] =	vst v5;
	v5 =	vnsel vm0, $0xFF800000, v3  }
0x19: {  	v6 =	vld [tilespmem:s14+$0x180];
	v5 =	vsel vm12, v5, v2  }
0x1a: {  	v2 =	vsel vm12, v2, v3;
	v3 =	vimm.s32 $0x0;
	vm13 =	vgt.f32 v4, v5  }
0x1b: {  	v3 =	vsel vm13, $0xFFFFFFFF, v3  }
0x1c: {  	vm9 =	vgt.f32 v4, v2;
	[tilespmem:$0x1FF20] =	vst v3;
	v3 =	vsel vm13, v4, v5  }
0x1d: {  	v5 =	vld [tilespmem:s14+$0x200];
	v3 =	vsel vm9, v2, v3  }
0x1e: {  	v2 =	vsel vm9, v4, v2;
	v4 =	vimm.s32 $0x0;
	vm14 =	vgt.f32 v6, v3  }
0x1f: {  	v4 =	vsel vm14, $0xFFFFFFFF, v4  }
0x20: {  	vm8 =	vgt.f32 v6, v2;
	v3 =	vsel vm14, v6, v3;
	[tilespmem:$0x1FF30] =	vst v4;
	v4 =	vld [tilespmem:s14+$0x280]  }
0x21: {  	v3 =	vsel vm8, v2, v3  }
0x22: {  	v2 =	vsel vm8, v6, v2;
	v6 =	vimm.s32 $0x0;
	vm15 =	vgt.f32 v5, v3  }
0x23: {  	vm7 =	vgt.f32 v5, v2;
	v6 =	vsel vm15, $0xFFFFFFFF, v6;
	v3 =	vsel vm15, v5, v3  }
0x24: {  	[tilespmem:$0x1FF40] =	vst v6;
	v6 =	vld [tilespmem:s14+$0x300];
	v3 =	vsel vm7, v2, v3  }
0x25: {  	s15 =	sor.u32 s2, s2;
	v2 =	vsel vm7, v5, v2;
	v5 =	vimm.s32 $0x0;
	vm4 =	vgt.f32 v4, v3  }
0x26: {  	s15 =	sor.u32 $0x380, s15;
	v5 =	vsel vm4, $0xFFFFFFFF, v5  }
0x27: {  	vm10 =	vgt.f32 v4, v2;
	v3 =	vsel vm4, v4, v3;
	[tilespmem:$0x1FF50] =	vst v5;
	v5 =	vld [tilespmem:s15+$0x0]  }
0x28: {  	v3 =	vsel vm10, v2, v3  }
0x29: {  	v2 =	vsel vm10, v4, v2;
	v4 =	vimm.s32 $0x0;
	vm5 =	vgt.f32 v6, v3  }
0x2a: {  	vm11 =	vgt.f32 v6, v2;
	v4 =	vsel vm5, $0xFFFFFFFF, v4;
	v3 =	vsel vm5, v6, v3  }
0x2b: {  	[tilespmem:$0x1FF60] =	vst v4;
	v4 =	vld [tilespmem:s14+$0x1000];
	v3 =	vsel vm11, v2, v3  }
0x2c: {  	v2 =	vsel vm11, v6, v2;
	v6 =	vimm.s32 $0x0;
	vm6 =	vgt.f32 v5, v3  }
0x2d: {  	v6 =	vsel vm6, $0xFFFFFFFF, v6  }
0x2e: {  	vm13 =	vgt.f32 v5, v2;
	v3 =	vsel vm6, v5, v3;
	[tilespmem:$0x1FF70] =	vst v6;
	v6 =	vld [tilespmem:s14+$0x1080]  }
0x2f: {  	v3 =	vsel vm13, v2, v3  }
0x30: {  	v2 =	vsel vm13, v5, v2;
	v5 =	vimm.s32 $0x0;
	vm15 =	vgt.f32 v4, v3  }
0x31: {  	v5 =	vsel vm15, $0xFFFFFFFF, v5;
	v3 =	vsel vm15, v4, v3;
	vm15 =	vgt.f32 v4, v2  }
0x32: {  	[tilespmem:$0x1FF80] =	vst v5;
	v5 =	vld [tilespmem:s14+$0x1100];
	v3 =	vsel vm15, v2, v3  }
0x33: {  	v2 =	vsel vm15, v4, v2;
	v4 =	vimm.s32 $0x0;
	vm4 =	vgt.f32 v6, v3  }
0x34: {  	v4 =	vsel vm4, $0xFFFFFFFF, v4  }
0x35: {  	vm6 =	vgt.f32 v6, v2;
	v3 =	vsel vm4, v6, v3;
	[tilespmem:$0x1FF90] =	vst v4;
	v4 =	vld [tilespmem:s14+$0x1180]  }
0x36: {  	v3 =	vsel vm6, v2, v3  }
0x37: {  	v2 =	vsel vm6, v6, v2;
	v6 =	vimm.s32 $0x0;
	vm5 =	vgt.f32 v5, v3  }
0x38: {  	v6 =	vsel vm5, $0xFFFFFFFF, v6;
	v3 =	vsel vm5, v5, v3;
	vm5 =	vgt.f32 v5, v2  }
0x39: {  	[tilespmem:$0x1FFA0] =	vst v6;
	v6 =	vld [tilespmem:s14+$0x1200];
	v3 =	vsel vm5, v2, v3  }
0x3a: {  	v2 =	vsel vm5, v5, v2;
	v5 =	vimm.s32 $0x0;
	vm14 =	vgt.f32 v4, v3  }
0x3b: {  	v5 =	vsel vm14, $0xFFFFFFFF, v5  }
0x3c: {  	vm2 =	vgt.f32 v4, v2;
	v3 =	vsel vm14, v4, v3;
	[tilespmem:$0x1FFB0] =	vst v5;
	v5 =	vld [tilespmem:s14+$0x1280]  }
0x3d: {  	v3 =	vsel vm2, v2, v3  }
0x3e: {  	v2 =	vsel vm2, v4, v2;
	v4 =	vimm.s32 $0x0;
	vm4 =	vgt.f32 v6, v3  }
0x3f: {  	vm3 =	vgt.f32 v6, v2;
	v4 =	vsel vm4, $0xFFFFFFFF, v4;
	v3 =	vsel vm4, v6, v3  }
0x40: {  	[tilespmem:$0x1FFC0] =	vst v4;
	v4 =	vld [tilespmem:s14+$0x1300];
	v3 =	vsel vm3, v2, v3  }
0x41: {  	v2 =	vsel vm3, v6, v2;
	v6 =	vimm.s32 $0x0;
	vm14 =	vgt.f32 v5, v3  }
0x42: {  	v6 =	vsel vm14, $0xFFFFFFFF, v6  }
0x43: {  	vm0 =	vgt.f32 v5, v2;
	v3 =	vsel vm14, v5, v3;
	[tilespmem:$0x1FFD0] =	vst v6;
	v6 =	vld [tilespmem:s14+$0x1380]  }
0x44: {  	v3 =	vsel vm0, v2, v3  }
0x45: {  	v2 =	vsel vm0, v5, v2;
	vm4 =	vgt.f32 v4, v3  }
0x46: {  	v5 =	vimm.s32 $0x0;
	vm1 =	vgt.f32 v4, v2;
	v3 =	vsel vm4, v4, v3  }
0x47: {  	v5 =	vsel vm4, $0xFFFFFFFF, v5;
	v3 =	vsel vm1, v2, v3  }
0x48: {  	v2 =	vsel vm1, v4, v2;
	v4 =	vimm.s32 $0x0;
	vm4 =	vgt.f32 v6, v3  }
0x49: {  	v4 =	vsel vm4, $0xFFFFFFFF, v4  }
0x4a: {  	[tilespmem:$0x1FFF0] =	vst v4;
	v4 =	vld [tilespmem:$0x1FF00];
	_ =	sdelay $0x3  }
0x4b: {  	v3 =	vsel vm4, v6, v3;
	vm4 =	vgt.f32 v6, v2  }
0x4c: {  	vm14 =	vnez.u8 v4;
	v4 =	vsel vm4, v6, v2;
	v2 =	vsel vm4, v2, v3  }
0x4d: {  	v2 =	vsub.f32 v2, v4;
	v4 =	vld [tilespmem:$0x1FF10]  }
0x4e: {  	[tilespmem:$0x1FFE0] =	vst v5;
	v5 =	vld [tilespmem:$0x1FF20];
	_ =	sdelay $0x2  }
0x4f: {  	vm12 =	vmand vm14, vm12  }
0x50: {  	v3 =	vsel vm12, $0x1, v0;
	vm12 =	vnez.u8 v4  }
0x51: {  	v4 =	vsel vm12, $0x1, v0;
	vm12 =	vnez.u8 v5;
	v5 =	vld [tilespmem:$0x1FF30];
	_ =	sdelay $0x3  }
0x52: {  	v3 =	vsel vm12, $0x2, v3  }
0x53: {  	v2 =	vmul.f32 $1.442695020e+00, v2;
	v3 =	vsel vm9, v4, v3;
	vm12 =	vnez.u8 v5  }
0x54: {  	v4 =	vsel vm9, $0x2, v4;
	v3 =	vsel vm12, $0x3, v3  }
0x55: {  	(erf) = vpow2.f32 v2;
	v2 =	vsel vm8, v4, v3;
	v3 =	vld [tilespmem:$0x1FF40];
	_ =	sdelay $0x4  }
0x56: {  	vm14 =	vnez.u8 v3;
	v3 =	vsel vm8, $0x3, v4;
	v4 =	vld [tilespmem:$0x1FF50];
	_ =	sdelay $0x4  }
0x57: {  	vm9 =	vnez.u8 v4;
	v4 =	vld [tilespmem:$0x1FF60];
	_ =	sdelay $0x1  }
0x58: {  	v2 =	vsel vm14, $0x4, v2  }
0x59: {  	v2 =	vsel vm7, v3, v2  }
0x5a: {  	v3 =	vsel vm7, $0x4, v3;
	v2 =	vsel vm9, $0x5, v2  }
0x5b: {  	v2 =	vsel vm10, v3, v2;
	v3 =	vsel vm10, $0x5, v3;
	vm10 =	vnez.u8 v4;
	v4 =	vld [tilespmem:$0x1FF70];
	_ =	sdelay $0x4  }
0x5c: {  	vm12 =	vnez.u8 v4;
	v4 =	vld [tilespmem:$0x1FF80];
	_ =	sdelay $0x4  }
0x5d: {  	vm14 =	vnez.u8 v4;
	v4 =	vpop (erf)  }
0x5e: {  	v4 =	vadd.f32 $1.000000000e+00, v4;
	_ =	sdelay $0x1  }
0x5f: {  	(erf) = vrcp.f32 v4;
	v4 =	vld [tilespmem:$0x1FFA0]  }
0x60: {  	v5 =	vld [tilespmem:$0x1FF90];
	v2 =	vsel vm10, $0x6, v2  }
0x61: {  	v2 =	vsel vm11, v3, v2  }
0x62: {  	v3 =	vsel vm11, $0x6, v3;
	v2 =	vsel vm12, $0x7, v2  }
0x63: {  	v2 =	vsel vm13, v3, v2  }
0x64: {  	v3 =	vsel vm13, $0x7, v3;
	v2 =	vsel vm14, $0x8, v2;
	vm10 =	vnez.u8 v4;
	v4 =	vld [tilespmem:$0x1FFB0]  }
0x65: {  	vm9 =	vnez.u8 v5;
	v2 =	vsel vm15, v3, v2  }
0x66: {  	v3 =	vsel vm15, $0x8, v3;
	v2 =	vsel vm9, $0x9, v2  }
0x67: {  	v2 =	vsel vm6, v3, v2  }
0x68: {  	v3 =	vsel vm6, $0x9, v3;
	v2 =	vsel vm10, $0xA, v2  }
0x69: {  	v2 =	vsel vm5, v3, v2;
	vm11 =	vnez.u8 v4  }
0x6a: {  	v3 =	vsel vm5, $0xA, v3;
	v2 =	vsel vm11, $0xB, v2  }
0x6b: {  	v4 =	vsel vm2, $0xB, v3;
	v2 =	vsel vm2, v3, v2;
	v3 =	vld [tilespmem:$0x1FFC0];
	_ =	sdelay $0x4  }
0x6c: {  	vm12 =	vnez.u8 v3  }
0x6d: {  	v2 =	vsel vm12, $0xC, v2  }
0x6e: {  	v5 =	vsel vm3, $0xC, v4;
	v2 =	vsel vm3, v4, v2;
	v4 =	vld [tilespmem:$0x1FFD0];
	_ =	sdelay $0x1  }
0x6f: {  	v6 =	vld [tilespmem:$0x1FFE0]  }
0x70: {  	s31 =	sand.u32 $0x300, s2  }
0x71: {  	s13 =	sor.u32 s13, s31;
	v8 =	vld [tilespmem:$0x1FFF0]  }
0x72: {  	v3 =	vor.u32 s13, v1;
	s13 =	sor.u32 $0x80, s13;
	vm13 =	vnez.u8 v4  }
0x73: {  	v4 =	vor.u32 s13, v1;
	v2 =	vsel vm13, $0xD, v2  }
0x74: {  	vm14 =	vnez.u8 v6;
	v2 =	vsel vm0, v5, v2  }
0x75: {  	v6 =	vpop (erf);
	v5 =	vsel vm0, $0xD, v5;
	v2 =	vsel vm14, $0xE, v2  }
0x76: {  	vm15 =	vnez.u8 v8;
	v7 =	vsub.f32 $1.000000000e+00, v6;
	v2 =	vsel vm1, v5, v2  }
0x77: {  	s16 =	simm.s32 $0x10;
	s17 =	simm.s32 $0x40;
	s15 =	simm.s32 $0x80;
	[tilespmem:v3+s10+$0x0] =	vst.idx.msk $0xffff, v6;
	v5 =	vsel vm1, $0xE, v5;
	v2 =	vsel vm15, $0xF, v2  }
0x78: {  	s18 =	sand.u32 $0xC00, s15;
	s14 =	sand.u32 $0x70, s16;
	s13 =	simm.s32 $0x20;
	[tilespmem:v4+s10+$0x0] =	vst.idx.msk $0xffff, v7;
	v2 =	vsel vm4, v5, v2;
	v5 =	vsel vm4, $0xF, v5  }
.LBB2_2:
0x79: {  	p0 =	sne.s32 s17, $0x3E0  }
0x7a: {  	s19 =	sor.u32 s14, s18;
	[tilespmem:v3+s11+$0x0] =	vst.idx.msk $0xffff, v5;
	s18 =	smov.u32 s17;
	s17 =	sadd.s32 $0x20, s17  }
0x7b: {  	[tilespmem:v4+s11+$0x0] =	vst.idx.msk $0xffff, v2  }
0x7c: {  	v2 =	vld [tilespmem:s19+$0x0]  }
0x7d: {  	v3 =	vld [tilespmem:s19+$0x80];
	_ =	sdelay $0x3  }
0x7e: {  	vm0 =	vgt.f32 v2, $-Inf;
	v4 =	vld [tilespmem:s19+$0x100]  }
0x7f: {  	v2 =	vnsel vm0, $0xFF800000, v2;
	vm0 =	vlt.f32 v3, $-Inf;
	vm1 =	vgt.f32 v3, $-Inf  }
0x80: {  	vm2 =	vgt.f32 v3, v2;
	vm0 =	vmor vm1, vm0  }
0x81: {  	vm1 =	vmneg vm2;
	v5 =	vnsel vm0, $0xFF800000, v3;
	v6 =	vld [tilespmem:s19+$0x180]  }
0x82: {  	v5 =	vsel vm1, v5, v2;
	vm0 =	vmand vm0, vm1;
	v2 =	vsel vm1, v2, v3  }
0x83: {  	v7 =	vsel vm2, $0x1, v0;
	v3 =	vsel vm0, $0x1, v0;
	vm0 =	vgt.f32 v4, v5  }
0x84: {  	vm1 =	vgt.f32 v4, v2;
	v5 =	vsel vm0, v4, v5;
	v3 =	vsel vm0, $0x2, v3;
	v8 =	vld [tilespmem:s19+$0x200]  }
0x85: {  	v9 =	vsel vm1, $0x2, v7;
	v5 =	vsel vm1, v2, v5  }
0x86: {  	v3 =	vsel vm1, v7, v3;
	v2 =	vsel vm1, v4, v2;
	vm0 =	vgt.f32 v6, v5  }
0x87: {  	vm1 =	vgt.f32 v6, v2;
	v4 =	vsel vm0, v6, v5;
	v3 =	vsel vm0, $0x3, v3;
	v5 =	vld [tilespmem:s19+$0x280]  }
0x88: {  	v4 =	vsel vm1, v2, v4;
	v3 =	vsel vm1, v9, v3  }
0x89: {  	v2 =	vsel vm1, v6, v2;
	vm0 =	vgt.f32 v8, v4  }
0x8a: {  	vm2 =	vgt.f32 v8, v2;
	v4 =	vsel vm0, v8, v4;
	v3 =	vsel vm0, $0x4, v3;
	v6 =	vld [tilespmem:s19+$0x300]  }
0x8b: {  	s20 =	sor.u32 s15, s16;
	v7 =	vsel vm1, $0x3, v9;
	v4 =	vsel vm2, v2, v4;
	v2 =	vsel vm2, v8, v2  }
0x8c: {  	s20 =	sor.u32 $0x380, s20;
	v3 =	vsel vm2, v7, v3;
	v7 =	vsel vm2, $0x4, v7;
	vm0 =	vgt.f32 v5, v4  }
0x8d: {  	vm1 =	vgt.f32 v5, v2;
	v4 =	vsel vm0, v5, v4;
	v3 =	vsel vm0, $0x5, v3;
	v8 =	vld [tilespmem:s20+$0x0]  }
0x8e: {  	v4 =	vsel vm1, v2, v4;
	v3 =	vsel vm1, v7, v3;
	v2 =	vsel vm1, v5, v2  }
0x8f: {  	v5 =	vsel vm1, $0x5, v7;
	vm0 =	vgt.f32 v6, v4  }
0x90: {  	vm1 =	vgt.f32 v6, v2;
	v4 =	vsel vm0, v6, v4;
	v3 =	vsel vm0, $0x6, v3;
	v7 =	vld [tilespmem:s19+$0x1000]  }
0x91: {  	v4 =	vsel vm1, v2, v4;
	v2 =	vsel vm1, v6, v2;
	v6 =	vsel vm1, $0x6, v5  }
0x92: {  	v3 =	vsel vm1, v5, v3;
	vm0 =	vgt.f32 v8, v4  }
0x93: {  	vm1 =	vgt.f32 v8, v2;
	v4 =	vsel vm0, v8, v4;
	v3 =	vsel vm0, $0x7, v3;
	v5 =	vld [tilespmem:s19+$0x1080]  }
0x94: {  	v4 =	vsel vm1, v2, v4;
	v3 =	vsel vm1, v6, v3;
	v2 =	vsel vm1, v8, v2  }
0x95: {  	v6 =	vsel vm1, $0x7, v6;
	vm0 =	vgt.f32 v7, v4  }
0x96: {  	vm1 =	vgt.f32 v7, v2;
	v4 =	vsel vm0, v7, v4;
	v3 =	vsel vm0, $0x8, v3;
	v8 =	vld [tilespmem:s19+$0x1100]  }
0x97: {  	v4 =	vsel vm1, v2, v4;
	v2 =	vsel vm1, v7, v2;
	v7 =	vsel vm1, $0x8, v6  }
0x98: {  	v3 =	vsel vm1, v6, v3;
	vm0 =	vgt.f32 v5, v4  }
0x99: {  	vm1 =	vgt.f32 v5, v2;
	v4 =	vsel vm0, v5, v4;
	v3 =	vsel vm0, $0x9, v3;
	v6 =	vld [tilespmem:s19+$0x1180]  }
0x9a: {  	v4 =	vsel vm1, v2, v4;
	v3 =	vsel vm1, v7, v3;
	v2 =	vsel vm1, v5, v2  }
0x9b: {  	v5 =	vsel vm1, $0x9, v7;
	vm0 =	vgt.f32 v8, v2;
	vm1 =	vgt.f32 v8, v4  }
0x9c: {  	v4 =	vsel vm1, v8, v4;
	v3 =	vsel vm1, $0xA, v3;
	v7 =	vld [tilespmem:s19+$0x1200]  }
0x9d: {  	v4 =	vsel vm0, v2, v4;
	v3 =	vsel vm0, v5, v3;
	v2 =	vsel vm0, v8, v2  }
0x9e: {  	vm1 =	vgt.f32 v6, v2;
	vm2 =	vgt.f32 v6, v4  }
0x9f: {  	v5 =	vsel vm0, $0xA, v5;
	v4 =	vsel vm2, v6, v4;
	v3 =	vsel vm2, $0xB, v3;
	v8 =	vld [tilespmem:s19+$0x1280]  }
0xa0: {  	v4 =	vsel vm1, v2, v4;
	v2 =	vsel vm1, v6, v2;
	v6 =	vsel vm1, $0xB, v5  }
0xa1: {  	v3 =	vsel vm1, v5, v3;
	vm0 =	vgt.f32 v7, v2;
	vm1 =	vgt.f32 v7, v4;
	v5 =	vld [tilespmem:s19+$0x1300]  }
0xa2: {  	v4 =	vsel vm1, v7, v4;
	v3 =	vsel vm1, $0xC, v3;
	v7 =	vsel vm0, v7, v2  }
0xa3: {  	v2 =	vsel vm0, v2, v4;
	v3 =	vsel vm0, v6, v3  }
0xa4: {  	v4 =	vsel vm0, $0xC, v6;
	vm0 =	vgt.f32 v8, v7;
	vm1 =	vgt.f32 v8, v2;
	v6 =	vld [tilespmem:s19+$0x1380]  }
0xa5: {  	v2 =	vsel vm1, v8, v2;
	v3 =	vsel vm1, $0xD, v3;
	v8 =	vsel vm0, v8, v7  }
0xa6: {  	v2 =	vsel vm0, v7, v2;
	v3 =	vsel vm0, v4, v3;
	v4 =	vsel vm0, $0xD, v4  }
0xa7: {  	vm0 =	vgt.f32 v5, v8;
	vm1 =	vgt.f32 v5, v2  }
0xa8: {  	v2 =	vsel vm1, v5, v2;
	v3 =	vsel vm1, $0xE, v3  }
0xa9: {  	v5 =	vsel vm0, v5, v8;
	v2 =	vsel vm0, v8, v2;
	v3 =	vsel vm0, v4, v3  }
0xaa: {  	v7 =	vsel vm0, $0xE, v4;
	vm0 =	vgt.f32 v6, v5;
	vm1 =	vgt.f32 v6, v2  }
0xab: {  	v4 =	vsel vm0, v6, v5;
	v2 =	vsel vm1, v6, v2;
	v3 =	vsel vm1, $0xF, v3  }
0xac: {  	v5 =	vsel vm0, v5, v2;
	v2 =	vsel vm0, v7, v3  }
0xad: {  	v3 =	vsub.f32 v5, v4;
	_ =	sdelay $0x1  }
0xae: {  	v3 =	vmul.f32 $1.442695020e+00, v3;
	_ =	sdelay $0x1  }
0xaf: {  	(erf) = vpow2.f32 v3;
	_ =	sdelay $0x8  }
0xb0: {  	v3 =	vpop (erf)  }
0xb1: {  	v3 =	vadd.f32 $1.000000000e+00, v3;
	_ =	sdelay $0x1  }
0xb2: {  	(erf) = vrcp.f32 v3;
	_ =	sdelay $0x2  }
0xb3: {  	s19 =	sand.u32 $0x300, s13;
	s13 =	smov.u32 s18  }
0xb4: {  	s14 =	sor.u32 s14, s19  }
0xb5: {  	v3 =	vor.u32 s14, v1;
	s14 =	sor.u32 $0x80, s14  }
0xb6: {  	v4 =	vor.u32 s14, v1;
	_ =	sdelay $0x1  }
.Ltmp0:
0xb7: {  	(pc) =	sbr.rel @p0 .LBB2_2-.Ltmp0, $4  }
0xb8: {  	v6 =	vpop (erf)  }
0xb9: {  	v8 =	vsub.f32 $1.000000000e+00, v6  }
0xba: {  	s15 =	sadd.s32 $0x80, s15;
	s16 =	sadd.s32 $0x10, s16;
	v5 =	vsel vm0, $0xF, v7;
	[tilespmem:v3+s10+$0x0] =	vst.idx.msk $0xffff, v6  }
0xbb: {  	s18 =	sand.u32 $0xC00, s15;
	s14 =	sand.u32 $0x70, s16;
	[tilespmem:v4+s10+$0x0] =	vst.idx.msk $0xffff, v8  }
0xbc: {  	_ =	sdelay $0x3  }
0xbd: {  	[tilespmem:v3+s11+$0x0] =	vst.idx.msk $0xffff, v5  }
0xbe: {  	s17 =	sor.u32 s14, s18;
	[tilespmem:v4+s11+$0x0] =	vst.idx.msk $0xffff, v2  }
0xbf: {  	v2 =	vld [tilespmem:s17+$0x0];
	_ =	sdelay $0x1  }
0xc0: {  	v3 =	vld [tilespmem:s17+$0x80];
	_ =	sdelay $0x2  }
0xc1: {  	vm0 =	vgt.f32 v2, $-Inf  }
0xc2: {  	v16 =	vimm.s32 $0x0;
	v4 =	vld [tilespmem:s17+$0x100];
	v2 =	vnsel vm0, $0xFF800000, v2  }
0xc3: {  	vm10 =	vlt.f32 v3, $-Inf;
	vm1 =	vgt.f32 v3, $-Inf;
	vm2 =	vgt.f32 v3, v2  }
0xc4: {  	v17 =	vimm.s32 $0x0;
	vm0 =	vmor vm1, vm10;
	v5 =	vsel vm2, $0xFFFFFFFF, v16  }
0xc5: {  	v18 =	vnsel vm0, $0xFF800000, v3;
	vm14 =	vmneg vm2;
	[tilespmem:$0x1FE10] =	vst v5;
	v5 =	vsel vm0, $0xFFFFFFFF, v17  }
0xc6: {  	v6 =	vld [tilespmem:s17+$0x180];
	[tilespmem:$0x1FE00] =	vst v5;
	v5 =	vsel vm14, v18, v2  }
0xc7: {  	v2 =	vsel vm14, v2, v3;
	v3 =	vimm.s32 $0x0;
	vm11 =	vgt.f32 v4, v5  }
0xc8: {  	v3 =	vsel vm11, $0xFFFFFFFF, v3  }
0xc9: {  	v19 =	vld [tilespmem:s17+$0x200];
	vm12 =	vgt.f32 v4, v2;
	[tilespmem:$0x1FE20] =	vst v3;
	v3 =	vsel vm11, v4, v5  }
0xca: {  	v3 =	vsel vm12, v2, v3  }
0xcb: {  	v2 =	vsel vm12, v4, v2;
	vm4 =	vgt.f32 v6, v3  }
0xcc: {  	v21 =	vld [tilespmem:s17+$0x280];
	vm9 =	vgt.f32 v6, v2;
	v3 =	vsel vm4, v6, v3  }
0xcd: {  	v3 =	vsel vm9, v2, v3  }
0xce: {  	v2 =	vsel vm9, v6, v2;
	vm5 =	vgt.f32 v19, v3  }
0xcf: {  	v23 =	vld [tilespmem:s17+$0x300];
	vm8 =	vgt.f32 v19, v2;
	v3 =	vsel vm5, v19, v3  }
0xd0: {  	s15 =	sor.u32 s15, s16;
	v3 =	vsel vm8, v2, v3  }
0xd1: {  	s15 =	sor.u32 $0x380, s15;
	v2 =	vsel vm8, v19, v2;
	vm13 =	vgt.f32 v21, v3  }
0xd2: {  	v25 =	vld [tilespmem:s15+$0x0];
	vm10 =	vgt.f32 v21, v2;
	v3 =	vsel vm13, v21, v3  }
0xd3: {  	v3 =	vsel vm10, v2, v3  }
0xd4: {  	v2 =	vsel vm10, v21, v2;
	vm15 =	vgt.f32 v23, v3  }
0xd5: {  	v27 =	vld [tilespmem:s17+$0x1000];
	vm11 =	vgt.f32 v23, v2;
	v3 =	vsel vm15, v23, v3  }
0xd6: {  	v20 =	vimm.s32 $0x0;
	v24 =	vimm.s32 $0x0;
	v3 =	vsel vm11, v2, v3  }
0xd7: {  	v4 =	vsel vm4, $0xFFFFFFFF, v20;
	v2 =	vsel vm11, v23, v2;
	vm4 =	vgt.f32 v25, v3  }
0xd8: {  	v29 =	vld [tilespmem:s17+$0x1080];
	v5 =	vsel vm13, $0xFFFFFFFF, v24;
	vm13 =	vgt.f32 v25, v2;
	v3 =	vsel vm4, v25, v3  }
0xd9: {  	v22 =	vimm.s32 $0x0;
	v3 =	vsel vm13, v2, v3  }
0xda: {  	v6 =	vsel vm5, $0xFFFFFFFF, v22;
	v2 =	vsel vm13, v25, v2;
	vm5 =	vgt.f32 v27, v3  }
0xdb: {  	v31 =	vld [tilespmem:s17+$0x1100];
	vm7 =	vgt.f32 v27, v2;
	v3 =	vsel vm5, v27, v3  }
0xdc: {  	v26 =	vimm.s32 $0x0;
	v32 =	vimm.s32 $0x0;
	v3 =	vsel vm7, v2, v3  }
0xdd: {  	[tilespmem:$0x1FE30] =	vst v4;
	v4 =	vsel vm15, $0xFFFFFFFF, v26;
	v2 =	vsel vm7, v27, v2;
	vm6 =	vgt.f32 v29, v3  }
0xde: {  	v33 =	vld [tilespmem:s17+$0x1180];
	[tilespmem:$0x1FE60] =	vst v4;
	v4 =	vsel vm6, $0xFFFFFFFF, v32;
	v3 =	vsel vm6, v29, v3;
	vm6 =	vgt.f32 v29, v2  }
0xdf: {  	v3 =	vsel vm6, v2, v3  }
0xe0: {  	v30 =	vimm.s32 $0x0;
	v2 =	vsel vm6, v29, v2;
	vm15 =	vgt.f32 v31, v3  }
0xe1: {  	v35 =	vld [tilespmem:s17+$0x1200];
	[tilespmem:$0x1FE50] =	vst v5;
	v5 =	vsel vm5, $0xFFFFFFFF, v30;
	vm5 =	vgt.f32 v31, v2;
	v3 =	vsel vm15, v31, v3  }
0xe2: {  	v28 =	vimm.s32 $0x0;
	v36 =	vimm.s32 $0x0;
	v3 =	vsel vm5, v2, v3  }
0xe3: {  	[tilespmem:$0x1FE40] =	vst v6;
	v6 =	vsel vm4, $0xFFFFFFFF, v28;
	v2 =	vsel vm5, v31, v2;
	vm4 =	vgt.f32 v33, v3  }
0xe4: {  	v37 =	vld [tilespmem:s17+$0x1280];
	[tilespmem:$0x1FE80] =	vst v5;
	v5 =	vsel vm4, $0xFFFFFFFF, v36;
	v3 =	vsel vm4, v33, v3;
	vm4 =	vgt.f32 v33, v2  }
0xe5: {  	v34 =	vimm.s32 $0x0;
	v3 =	vsel vm4, v2, v3  }
0xe6: {  	[tilespmem:$0x1FE70] =	vst v6;
	v6 =	vsel vm15, $0xFFFFFFFF, v34;
	v2 =	vsel vm4, v33, v2;
	vm15 =	vgt.f32 v35, v3  }
0xe7: {  	v39 =	vld [tilespmem:s17+$0x1300];
	vm3 =	vgt.f32 v35, v2;
	v3 =	vsel vm15, v35, v3  }
0xe8: {  	v38 =	vimm.s32 $0x0;
	v3 =	vsel vm3, v2, v3  }
0xe9: {  	[tilespmem:$0x1FE90] =	vst v4;
	v4 =	vsel vm15, $0xFFFFFFFF, v38;
	v2 =	vsel vm3, v35, v2;
	vm15 =	vgt.f32 v37, v3  }
0xea: {  	v41 =	vld [tilespmem:s17+$0x1380];
	vm2 =	vgt.f32 v37, v2;
	v3 =	vsel vm15, v37, v3  }
0xeb: {  	v40 =	vimm.s32 $0x0;
	v3 =	vsel vm2, v2, v3  }
0xec: {  	[tilespmem:$0x1FEA0] =	vst v6;
	v6 =	vsel vm15, $0xFFFFFFFF, v40;
	v2 =	vsel vm2, v37, v2;
	vm15 =	vgt.f32 v39, v3  }
0xed: {  	vm0 =	vgt.f32 v39, v2;
	v3 =	vsel vm15, v39, v3  }
0xee: {  	v42 =	vimm.s32 $0x0;
	v3 =	vsel vm0, v2, v3  }
0xef: {  	[tilespmem:$0x1FEB0] =	vst v5;
	v5 =	vsel vm15, $0xFFFFFFFF, v42;
	v2 =	vsel vm0, v39, v2;
	vm15 =	vgt.f32 v41, v3  }
0xf0: {  	vm1 =	vgt.f32 v41, v2;
	v3 =	vsel vm15, v41, v3  }
0xf1: {  	v44 =	vsel vm1, v41, v2;
	v2 =	vsel vm1, v2, v3;
	v3 =	vld [tilespmem:$0x1FE00];
	_ =	sdelay $0x1  }
0xf2: {  	v45 =	vld [tilespmem:$0x1FE10]  }
0xf3: {  	v46 =	vld [tilespmem:$0x1FE20]  }
0xf4: {  	v43 =	vimm.s32 $0x0  }
0xf5: {  	v47 =	vld [tilespmem:$0x1FE30];
	[tilespmem:$0x1FEC0] =	vst v4;
	v4 =	vsel vm15, $0xFFFFFFFF, v43;
	vm15 =	vnez.u8 v3  }
0xf6: {  	vm14 =	vmand vm15, vm14  }
0xf7: {  	v2 =	vsub.f32 v2, v44;
	v3 =	vsel vm14, $0x1, v0;
	vm14 =	vnez.u8 v45  }
0xf8: {  	[tilespmem:$0x1FEF0] =	vst v4;
	v4 =	vsel vm14, $0x1, v0;
	vm14 =	vnez.u8 v46  }
0xf9: {  	v2 =	vmul.f32 $1.442695020e+00, v2;
	v3 =	vsel vm14, $0x2, v3  }
0xfa: {  	v3 =	vsel vm12, v4, v3;
	v4 =	vsel vm12, $0x2, v4;
	vm12 =	vnez.u8 v47  }
0xfb: {  	v3 =	vsel vm12, $0x3, v3  }
0xfc: {  	(erf) = vpow2.f32 v2;
	v2 =	vsel vm9, v4, v3;
	v3 =	vld [tilespmem:$0x1FE40];
	_ =	sdelay $0x1  }
0xfd: {  	v48 =	vld [tilespmem:$0x1FE50];
	_ =	sdelay $0x1  }
0xfe: {  	v49 =	vld [tilespmem:$0x1FE60]  }
0xff: {  	vm12 =	vnez.u8 v3  }
0x100: {  	v50 =	vld [tilespmem:$0x1FE70];
	v3 =	vsel vm9, $0x3, v4;
	v2 =	vsel vm12, $0x4, v2  }
0x101: {  	vm15 =	vnez.u8 v48;
	v2 =	vsel vm8, v3, v2  }
0x102: {  	v52 =	vld [tilespmem:$0x1FE80];
	v3 =	vsel vm8, $0x4, v3;
	v2 =	vsel vm15, $0x5, v2  }
0x103: {  	vm12 =	vnez.u8 v49;
	v2 =	vsel vm10, v3, v2  }
0x104: {  	v53 =	vld [tilespmem:$0x1FE90];
	v3 =	vsel vm10, $0x5, v3;
	v2 =	vsel vm12, $0x6, v2  }
0x105: {  	vm14 =	vnez.u8 v50;
	v2 =	vsel vm11, v3, v2  }
0x106: {  	v54 =	vld [tilespmem:$0x1FEA0];
	v3 =	vsel vm11, $0x6, v3;
	v2 =	vsel vm14, $0x7, v2  }
0x107: {  	v51 =	vpop (erf);
	vm15 =	vnez.u8 v52;
	v2 =	vsel vm13, v3, v2  }
0x108: {  	v55 =	vld [tilespmem:$0x1FEB0];
	v4 =	vadd.f32 $1.000000000e+00, v51;
	v3 =	vsel vm13, $0x7, v3;
	v2 =	vsel vm15, $0x8, v2  }
0x109: {  	vm9 =	vnez.u8 v53;
	v2 =	vsel vm7, v3, v2  }
0x10a: {  	v56 =	vld [tilespmem:$0x1FEC0];
	(erf) = vrcp.f32 v4;
	v3 =	vsel vm7, $0x8, v3;
	v2 =	vsel vm9, $0x9, v2  }
0x10b: {  	[tilespmem:$0x1FED0] =	vst v6;
	vm10 =	vnez.u8 v54;
	v2 =	vsel vm6, v3, v2  }
0x10c: {  	v59 =	vld [tilespmem:$0x1FED0];
	v3 =	vsel vm6, $0x9, v3;
	v2 =	vsel vm10, $0xA, v2  }
0x10d: {  	[tilespmem:$0x1FEE0] =	vst v5;
	vm11 =	vnez.u8 v55;
	v2 =	vsel vm5, v3, v2  }
0x10e: {  	s13 =	sand.u32 $0x300, s13;
	v7 =	vld [tilespmem:$0x1FEE0];
	v3 =	vsel vm5, $0xA, v3;
	v2 =	vsel vm11, $0xB, v2  }
0x10f: {  	s13 =	sor.u32 s14, s13;
	vm12 =	vnez.u8 v56;
	v2 =	vsel vm4, v3, v2  }
0x110: {  	v57 =	vor.u32 s13, v1;
	s13 =	sor.u32 $0x80, s13;
	v62 =	vld [tilespmem:$0x1FEF0];
	v3 =	vsel vm4, $0xB, v3;
	v2 =	vsel vm12, $0xC, v2  }
0x111: {  	v58 =	vor.u32 s13, v1;
	vm13 =	vnez.u8 v59;
	v2 =	vsel vm3, v3, v2  }
0x112: {  	v3 =	vsel vm3, $0xC, v3;
	v2 =	vsel vm13, $0xD, v2  }
0x113: {  	vm14 =	vnez.u8 v7;
	v60 =	vpop (erf);
	v2 =	vsel vm2, v3, v2  }
0x114: {  	v61 =	vsub.f32 $1.000000000e+00, v60;
	v3 =	vsel vm2, $0xD, v3;
	v2 =	vsel vm14, $0xE, v2  }
0x115: {  	vm15 =	vnez.u8 v62;
	[tilespmem:v57+s10+$0x0] =	vst.idx.msk $0xffff, v60;
	v2 =	vsel vm0, v3, v2;
	v3 =	vsel vm0, $0xE, v3  }
0x116: {  	[tilespmem:v58+s10+$0x0] =	vst.idx.msk $0xffff, v61;
	v2 =	vsel vm15, $0xF, v2;
	v63 =	vsel vm1, $0xF, v3  }
0x117: {  	v2 =	vsel vm1, v3, v2;
	[tilespmem:v57+s11+$0x0] =	vst.idx.msk $0xffff, v63  }
0x118: {  	[tilespmem:v58+s11+$0x0] =	vst.idx.msk $0xffff, v2  }
0x119: {  	[hbm4b:s4+s2] =	stream.linear.scatter [tilespmem:s10], [sflag:$0x1], $0x400, $0x38;
	[tilespmem:$0x2800] =	vst v63  }
0x11a: {  	s12 =	sadd.s32 $0x1, s12;
	_ =	swait.ge [sflag:s9], $0x400  }
0x11b: {  	p0 =	sne.s32 s12, s6;
	[sflag:s9] =	ssyncset.done $0x0  }
.Ltmp1:
0x11c: {  	[sflag:s9] =	ssyncadd.s32 $0xFFFFFC00;
	(pc) =	sbr.rel @p0 .LBB2_1-.Ltmp1, $4  }
0x11d: {  	[hbm4b:s5+s2] =	stream.linear.scatter [tilespmem:s11], [sflag:$0x1], $0x400, $0x38;
	[tilespmem:$0x2800] =	vst v63  }
0x11e: {  	_ =	swait.ge [sflag:s9], $0x400  }
0x11f: {  	[sflag:s9] =	ssyncset.done $0x0  }
0x120: {  	[sflag:s9] =	ssyncadd.s32 $0xFFFFFC00  }
0x121: {  	_ =	sfence.sel $0x180000  }
0x122: {  	[bflag:$0x0] =	sbarrier.arrive $0xFFFF  }
0x123: {  	p0 =	sne.s32 s0, $0x0;
	_ =	strace $0x90000047  }
0x124: {  	s0 =	sadd.s32 @!p0 $0x100000, s1;
	[bflag:$0x2] =	sbarrier.arrive $0xFFFF  }
0x125: {  	[sflag:s0] =	ssyncadd.tile.s32 @!p0 $0x1;
	_ =	shalt  }
.Lfunc_end2:
_tile_overlayer_lowered:
.L_overlay_start_2:
0x126: {  	(tag) =	ssettag $0x2  }
0x127: {  	s0 =	rddreg [dreg:$0x0];
	s2 =	stileid.u32  }
0x128: {  	s1 =	rddreg [dreg:$0x1];
	p0 =	sne.s32 s2, $0x0  }
0x129: {  	s3 =	rddreg [dreg:$0x2];
	[bflag:$0x3] =	sbarrier.arrive $0xFFFF;
	s2 =	simm.s32 @!p0 $0x1C01  }
0x12a: {  	[timem:s3], [sflag:s2] =	dma.local @!p0 [hbm:s0], s1  }
0x12b: {  	s0 =	simm.s32 @!p0 $0x1  }
0x12c: {  	_ =	swait.ge @!p0 [sflag:s0], s1  }
0x12d: {  	s1 =	ssub.s32 @!p0 $0x0, s1;
	[sflag:s0] =	ssyncset.done @!p0 $0x0  }
0x12e: {  	[sflag:s0] =	ssyncadd.s32 @!p0 s1  }
0x12f: {  	[bflag:$0x3] =	sbarrier.arrive $0xFFFF  }
0x130: {  	_ =	shalt  }

</sc_bundles>
